<compile_context>
chip_gen: v7x
topology: tpu7x:2x2x1
jax: 0.10.2.dev20260603
libtpu: 0.0.44.dev20260713+nightly
codegen_flags: <defaults>
</compile_context>

<pallas_src>
import functools

import jax
import jax.numpy as jnp
from jax import lax
from jax.experimental import pallas as pl
from jax.experimental.pallas import tpu as pltpu
from jax.experimental.pallas import tpu_sc as plsc

_NUM_CORES = 2
_NUM_SUBCORES = 16
_NUM_WORKERS = _NUM_CORES * _NUM_SUBCORES

_GROUP = 32
_NBUF = 3


def _sc_row_gather(x_flat, wt):
    n = x_flat.shape[0]
    vocab, d_model = wt.shape
    j_per_w = n // _NUM_WORKERS
    groups = j_per_w // _GROUP

    mesh = plsc.VectorSubcoreMesh(core_axis_name="c", subcore_axis_name="s")

    @functools.partial(
        pl.kernel,
        out_type=jax.ShapeDtypeStruct((n, d_model), jnp.float32),
        mesh=mesh,
        scratch_types=(
            [pltpu.VMEM((j_per_w,), jnp.int32)]
            + [pltpu.VMEM((_GROUP, d_model), jnp.float32)
               for _ in range(_NBUF)]
            + [pltpu.SemaphoreType.DMA((_NBUF,)),
               pltpu.SemaphoreType.DMA((_NBUF,))]
        ),
        compiler_params=pltpu.CompilerParams(needs_layout_passes=False),
    )
    def sc_kernel(x_hbm, w_hbm, out_hbm, *bufs):
        xs_v = bufs[0]
        gbufs = list(bufs[1:1 + _NBUF])
        gsem, ssem = bufs[1 + _NBUF], bufs[2 + _NBUF]
        wid = lax.axis_index("s") * _NUM_CORES + lax.axis_index("c")
        pltpu.sync_copy(x_hbm.at[pl.ds(wid * j_per_w, j_per_w)], xs_v)

        def idx_slice(g):
            return xs_v.at[pl.ds(g * _GROUP, _GROUP)]

        def fire_gather(g, b):
            pltpu.async_copy(w_hbm.at[idx_slice(g)], gbufs[b], gsem.at[b])

        def wait_gather(g, b):
            pltpu.make_async_copy(w_hbm.at[idx_slice(g)], gbufs[b],
                                  gsem.at[b]).wait()

        def out_slice(g):
            return out_hbm.at[pl.ds(wid * j_per_w + g * _GROUP, _GROUP), :]

        def fire_scatter(g, b):
            pltpu.async_copy(gbufs[b], out_slice(g), ssem.at[b])

        def wait_scatter(g, b):
            pltpu.make_async_copy(gbufs[b], out_slice(g), ssem.at[b]).wait()

        for b in range(_NBUF):
            fire_gather(b, b)

        def steady(gouter, carry):
            for b in range(_NBUF):
                g = gouter * _NBUF + b
                wait_gather(g, b)
                fire_scatter(g, b)

                @pl.when(g + _NBUF < groups)
                def _():
                    wait_scatter(g, b)
                    fire_gather(g + _NBUF, b)

                @pl.when(g + _NBUF >= groups)
                def _():
                    wait_scatter(g, b)
            return carry

        lax.fori_loop(0, groups // _NBUF, steady, 0)

        for b in range(groups % _NBUF):
            g = (groups // _NBUF) * _NBUF + b
            wait_gather(g, b)
            fire_scatter(g, b)
            wait_scatter(g, b)

    return sc_kernel(x_flat, wt)


def kernel(x, W_embed):
    b, p = x.shape
    d_model, vocab = W_embed.shape
    n = b * p
    x_flat = x.reshape(n).astype(jnp.int32)
    wt = W_embed.T.reshape(vocab, d_model)
    out = _sc_row_gather(x_flat, wt)
    return out.reshape(b, p, d_model)

# --- scband reference (transcript-rebuilt; emitter-appended) ---
"""Pipeline reference for scband-embed-4183298146561 (READ-ONLY COPY).

The authoritative reference and input builder live on the scoring server;
editing this copy changes nothing except your own understanding.
"""

import jax, jax.numpy as jnp
import numpy as np

N_VOCAB = 100000
D_MODEL = 1024
INIT_SCALE = 1.0


def setup_inputs(seed: int = 0) -> dict:
    key = jax.random.key(seed)
    k_x, k_w = jax.random.split(key)
    x = jax.random.randint(k_x, (4, 4096), 0, N_VOCAB, dtype=jnp.int64 if jax.config.jax_enable_x64 else jnp.int32)
    W_embed = jax.random.normal(k_w, (D_MODEL, N_VOCAB), dtype=jnp.float32) / np.sqrt(D_MODEL) * INIT_SCALE
    return {"x": x, "W_embed": W_embed}


def reference(x, W_embed):
    # W_embed[:, x] -> [d, b, p]; einsum 'dbp -> bpd' -> [b, p, d]
    gathered = jnp.take(W_embed, x, axis=1)  # [d, b, p]
    return jnp.einsum('dbp -> bpd', gathered)

if __name__ == "__main__":
    import jax
    _d = setup_inputs()
    print(jax.jit(kernel)(*tuple(_d.values())))

</pallas_src>

<mosaic_0001>
#map = affine_map<(d0, d1) -> (0)>
#map1 = affine_map<(d0, d1) -> (0, 0)>
module attributes {stable_mosaic.version = 14 : i64} {
  func.func @sc_kernel(%arg0: i32, %arg1: i32, %arg2: memref<16384xi32, #tpu.memory_space<hbm>>, %arg3: memref<100000x1024xf32, #tpu.memory_space<hbm>>, %arg4: memref<16384x1024xf32, #tpu.memory_space<hbm>>, %arg5: memref<512xi32, #tpu.memory_space<vmem>>, %arg6: memref<32x1024xf32, #tpu.memory_space<vmem>>, %arg7: memref<32x1024xf32, #tpu.memory_space<vmem>>, %arg8: memref<32x1024xf32, #tpu.memory_space<vmem>>, %arg9: memref<3x!tpu.dma_semaphore, #tpu.memory_space<semaphore_mem>>, %arg10: memref<3x!tpu.dma_semaphore, #tpu.memory_space<semaphore_mem>>) attributes {dimension_semantics = [#tpu.dimension_semantics<core_parallel>, #tpu.dimension_semantics<subcore_parallel>], iteration_bounds = array<i64: 2, 16>, scalar_prefetch = 0 : i64, scratch_operands = 6 : i64, tpu.core_type = #tpu.core_type<sc_vector_subcore>, window_params = [{transform_indices = #map}, {transform_indices = #map1}, {transform_indices = #map1}]} {
    %mul3A = arith.constant 2 : i32
    %mul3A_0 = arith.muli %arg1, %mul3A : i32
    %add3A = arith.addi %mul3A_0, %arg0 : i32
    %mul3A_1 = arith.constant 512 : i32
    %mul3A_2 = arith.muli %add3A, %mul3A_1 : i32
    "tpu.region"() ({
      %run_scoped3A = tpu.sem_alloc : memref<!tpu.dma_semaphore, #tpu.memory_space<semaphore_mem>>
      %dma_start3A_60 = tpu.memref_slice %arg2[%mul3A_2] : memref<16384xi32, #tpu.memory_space<hbm>> -> memref<512xi32, #tpu.memory_space<hbm>>
      %dma_start3A_61 = tpu.memref_slice %arg2[%mul3A_2] : memref<16384xi32, #tpu.memory_space<hbm>> -> memref<512xi32, #tpu.memory_space<hbm>>
      tpu.enqueue_dma source(%dma_start3A_61 : memref<512xi32, #tpu.memory_space<hbm>>) target(%arg5 : memref<512xi32, #tpu.memory_space<vmem>>) target_semaphore(%run_scoped3A : memref<!tpu.dma_semaphore, #tpu.memory_space<semaphore_mem>>)
      %dma_wait3A_62 = tpu.memref_slice %arg2[%mul3A_2] : memref<16384xi32, #tpu.memory_space<hbm>> -> memref<512xi32, #tpu.memory_space<hbm>>
      %dma_wait3A_63 = tpu.memref_slice %arg2[%mul3A_2] : memref<16384xi32, #tpu.memory_space<hbm>> -> memref<512xi32, #tpu.memory_space<hbm>>
      tpu.wait_dma2 semaphore(%run_scoped3A : memref<!tpu.dma_semaphore, #tpu.memory_space<semaphore_mem>>) src(%dma_wait3A_63 : memref<512xi32, #tpu.memory_space<hbm>>) dst(%arg5 : memref<512xi32, #tpu.memory_space<vmem>>)
      tpu.yield
    }) : () -> ()
    %dma_start3A = arith.constant 0 : i32
    %dma_start3A_3 = arith.constant 0 : i32
    %dma_start3A_4 = tpu.memref_slice %arg5[%dma_start3A_3] : memref<512xi32, #tpu.memory_space<vmem>> -> memref<32xi32, #tpu.memory_space<vmem>>
    %dma_start3A_5 = arith.constant 0 : i32
    %dma_start3A_6 = arith.constant 0 : i32
    %dma_start3A_7 = tpu.memref_slice %arg3[%dma_start3A_5, %dma_start3A_6] : memref<100000x1024xf32, #tpu.memory_space<hbm>> -> memref<100000x1024xf32, #tpu.memory_space<hbm>>
    %dma_start3A_8 = tpu.memref_slice %arg9[%dma_start3A] : memref<3x!tpu.dma_semaphore, #tpu.memory_space<semaphore_mem>> -> memref<1x!tpu.dma_semaphore, #tpu.memory_space<semaphore_mem>>
    %dma_start3A_9 = tpu.memref_squeeze %dma_start3A_8 : memref<1x!tpu.dma_semaphore, #tpu.memory_space<semaphore_mem>> -> memref<!tpu.dma_semaphore, #tpu.memory_space<semaphore_mem>>
    tpu.enqueue_indirect_dma source(%dma_start3A_7 : memref<100000x1024xf32, #tpu.memory_space<hbm>>) target(%arg6 : memref<32x1024xf32, #tpu.memory_space<vmem>>) offsets(%dma_start3A_4 : memref<32xi32, #tpu.memory_space<vmem>>) semaphore(%dma_start3A_9 : memref<!tpu.dma_semaphore, #tpu.memory_space<semaphore_mem>>)
    %dma_start3A_10 = arith.constant 1 : i32
    %dma_start3A_11 = arith.constant 32 : i32
    %dma_start3A_12 = tpu.memref_slice %arg5[%dma_start3A_11] : memref<512xi32, #tpu.memory_space<vmem>> -> memref<32xi32, #tpu.memory_space<vmem>>
    %dma_start3A_13 = arith.constant 0 : i32
    %dma_start3A_14 = arith.constant 0 : i32
    %dma_start3A_15 = tpu.memref_slice %arg3[%dma_start3A_13, %dma_start3A_14] : memref<100000x1024xf32, #tpu.memory_space<hbm>> -> memref<100000x1024xf32, #tpu.memory_space<hbm>>
    %dma_start3A_16 = tpu.memref_slice %arg9[%dma_start3A_10] : memref<3x!tpu.dma_semaphore, #tpu.memory_space<semaphore_mem>> -> memref<1x!tpu.dma_semaphore, #tpu.memory_space<semaphore_mem>>
    %dma_start3A_17 = tpu.memref_squeeze %dma_start3A_16 : memref<1x!tpu.dma_semaphore, #tpu.memory_space<semaphore_mem>> -> memref<!tpu.dma_semaphore, #tpu.memory_space<semaphore_mem>>
    tpu.enqueue_indirect_dma source(%dma_start3A_15 : memref<100000x1024xf32, #tpu.memory_space<hbm>>) target(%arg7 : memref<32x1024xf32, #tpu.memory_space<vmem>>) offsets(%dma_start3A_12 : memref<32xi32, #tpu.memory_space<vmem>>) semaphore(%dma_start3A_17 : memref<!tpu.dma_semaphore, #tpu.memory_space<semaphore_mem>>)
    %dma_start3A_18 = arith.constant 2 : i32
    %dma_start3A_19 = arith.constant 64 : i32
    %dma_start3A_20 = tpu.memref_slice %arg5[%dma_start3A_19] : memref<512xi32, #tpu.memory_space<vmem>> -> memref<32xi32, #tpu.memory_space<vmem>>
    %dma_start3A_21 = arith.constant 0 : i32
    %dma_start3A_22 = arith.constant 0 : i32
    %dma_start3A_23 = tpu.memref_slice %arg3[%dma_start3A_21, %dma_start3A_22] : memref<100000x1024xf32, #tpu.memory_space<hbm>> -> memref<100000x1024xf32, #tpu.memory_space<hbm>>
    %dma_start3A_24 = tpu.memref_slice %arg9[%dma_start3A_18] : memref<3x!tpu.dma_semaphore, #tpu.memory_space<semaphore_mem>> -> memref<1x!tpu.dma_semaphore, #tpu.memory_space<semaphore_mem>>
    %dma_start3A_25 = tpu.memref_squeeze %dma_start3A_24 : memref<1x!tpu.dma_semaphore, #tpu.memory_space<semaphore_mem>> -> memref<!tpu.dma_semaphore, #tpu.memory_space<semaphore_mem>>
    tpu.enqueue_indirect_dma source(%dma_start3A_23 : memref<100000x1024xf32, #tpu.memory_space<hbm>>) target(%arg8 : memref<32x1024xf32, #tpu.memory_space<vmem>>) offsets(%dma_start3A_20 : memref<32xi32, #tpu.memory_space<vmem>>) semaphore(%dma_start3A_25 : memref<!tpu.dma_semaphore, #tpu.memory_space<semaphore_mem>>)
    %scan3A = arith.constant 0 : i32
    %scan3A_26 = arith.constant 0 : i32
    %scan3A_27 = arith.constant 5 : i32
    %scan3A_28 = arith.addi %scan3A_26, %scan3A_27 : i32
    %scan3A_29 = arith.constant 1 : i32
    scf.for %scan3A_60 = %scan3A_26 to %scan3A_28 step %scan3A_29  : i32 {
      %mul3A_61 = arith.constant 3 : i32
      %mul3A_62 = arith.muli %scan3A_60, %mul3A_61 : i32
      %add3A_63 = arith.constant 0 : i32
      %add3A_64 = arith.addi %mul3A_62, %add3A_63 : i32
      %mul3A_65 = arith.constant 32 : i32
      %mul3A_66 = arith.muli %add3A_64, %mul3A_65 : i32
      %dma_wait3A_67 = arith.constant 0 : i32
      %dma_wait3A_68 = tpu.memref_slice %arg5[%mul3A_66] : memref<512xi32, #tpu.memory_space<vmem>> -> memref<32xi32, #tpu.memory_space<vmem>>
      %dma_wait3A_69 = arith.constant 0 : i32
      %dma_wait3A_70 = arith.constant 0 : i32
      %dma_wait3A_71 = tpu.memref_slice %arg3[%dma_wait3A_69, %dma_wait3A_70] : memref<100000x1024xf32, #tpu.memory_space<hbm>> -> memref<100000x1024xf32, #tpu.memory_space<hbm>>
      %dma_wait3A_72 = tpu.memref_slice %arg9[%dma_wait3A_67] : memref<3x!tpu.dma_semaphore, #tpu.memory_space<semaphore_mem>> -> memref<1x!tpu.dma_semaphore, #tpu.memory_space<semaphore_mem>>
      %dma_wait3A_73 = tpu.memref_squeeze %dma_wait3A_72 : memref<1x!tpu.dma_semaphore, #tpu.memory_space<semaphore_mem>> -> memref<!tpu.dma_semaphore, #tpu.memory_space<semaphore_mem>>
      tpu.wait_indirect_dma semaphore(%dma_wait3A_73 : memref<!tpu.dma_semaphore, #tpu.memory_space<semaphore_mem>>) src(%dma_wait3A_71 : memref<100000x1024xf32, #tpu.memory_space<hbm>>) dst(%arg6 : memref<32x1024xf32, #tpu.memory_space<vmem>>)
      %mul3A_74 = arith.constant 512 : i32
      %mul3A_75 = arith.muli %add3A, %mul3A_74 : i32
      %mul3A_76 = arith.constant 32 : i32
      %mul3A_77 = arith.muli %add3A_64, %mul3A_76 : i32
      %add3A_78 = arith.addi %mul3A_75, %mul3A_77 : i32
      %dma_start3A_79 = arith.constant 0 : i32
      %dma_start3A_80 = arith.constant 0 : i32
      %dma_start3A_81 = tpu.memref_slice %arg4[%add3A_78, %dma_start3A_80] : memref<16384x1024xf32, #tpu.memory_space<hbm>> -> memref<32x1024xf32, #tpu.memory_space<hbm>>
      %dma_start3A_82 = tpu.memref_slice %arg10[%dma_start3A_79] : memref<3x!tpu.dma_semaphore, #tpu.memory_space<semaphore_mem>> -> memref<1x!tpu.dma_semaphore, #tpu.memory_space<semaphore_mem>>
      %dma_start3A_83 = tpu.memref_squeeze %dma_start3A_82 : memref<1x!tpu.dma_semaphore, #tpu.memory_space<semaphore_mem>> -> memref<!tpu.dma_semaphore, #tpu.memory_space<semaphore_mem>>
      %dma_start3A_84 = arith.constant 0 : i32
      %dma_start3A_85 = tpu.memref_slice %arg4[%add3A_78, %dma_start3A_84] : memref<16384x1024xf32, #tpu.memory_space<hbm>> -> memref<32x1024xf32, #tpu.memory_space<hbm>>
      tpu.enqueue_dma source(%arg6 : memref<32x1024xf32, #tpu.memory_space<vmem>>) target(%dma_start3A_85 : memref<32x1024xf32, #tpu.memory_space<hbm>>) target_semaphore(%dma_start3A_83 : memref<!tpu.dma_semaphore, #tpu.memory_space<semaphore_mem>>)
      %add3A_86 = arith.constant 3 : i32
      %add3A_87 = arith.addi %add3A_64, %add3A_86 : i32
      %lt3A = arith.constant 16 : i32
      %lt3A_88 = arith.cmpi slt, %add3A_87, %lt3A : i32
      %convert_element_type3A = arith.extui %lt3A_88 : i1 to i32
      %cond3A = arith.constant 0 : i32
      %cond3A_89 = arith.cmpi ne, %convert_element_type3A, %cond3A : i32
      scf.if %cond3A_89 {
        %mul3A_174 = arith.constant 512 : i32
        %mul3A_175 = arith.muli %add3A, %mul3A_174 : i32
        %mul3A_176 = arith.constant 32 : i32
        %mul3A_177 = arith.muli %add3A_64, %mul3A_176 : i32
        %add3A_178 = arith.addi %mul3A_175, %mul3A_177 : i32
        %dma_wait3A_179 = arith.constant 0 : i32
        %dma_wait3A_180 = arith.constant 0 : i32
        %dma_wait3A_181 = tpu.memref_slice %arg4[%add3A_178, %dma_wait3A_180] : memref<16384x1024xf32, #tpu.memory_space<hbm>> -> memref<32x1024xf32, #tpu.memory_space<hbm>>
        %dma_wait3A_182 = tpu.memref_slice %arg10[%dma_wait3A_179] : memref<3x!tpu.dma_semaphore, #tpu.memory_space<semaphore_mem>> -> memref<1x!tpu.dma_semaphore, #tpu.memory_space<semaphore_mem>>
        %dma_wait3A_183 = tpu.memref_squeeze %dma_wait3A_182 : memref<1x!tpu.dma_semaphore, #tpu.memory_space<semaphore_mem>> -> memref<!tpu.dma_semaphore, #tpu.memory_space<semaphore_mem>>
        %dma_wait3A_184 = arith.constant 0 : i32
        %dma_wait3A_185 = tpu.memref_slice %arg4[%add3A_178, %dma_wait3A_184] : memref<16384x1024xf32, #tpu.memory_space<hbm>> -> memref<32x1024xf32, #tpu.memory_space<hbm>>
        tpu.wait_dma2 semaphore(%dma_wait3A_183 : memref<!tpu.dma_semaphore, #tpu.memory_space<semaphore_mem>>) src(%arg6 : memref<32x1024xf32, #tpu.memory_space<vmem>>) dst(%dma_wait3A_185 : memref<32x1024xf32, #tpu.memory_space<hbm>>)
        %add3A_186 = arith.constant 3 : i32
        %add3A_187 = arith.addi %add3A_64, %add3A_186 : i32
        %mul3A_188 = arith.constant 32 : i32
        %mul3A_189 = arith.muli %add3A_187, %mul3A_188 : i32
        %dma_start3A_190 = arith.constant 0 : i32
        %dma_start3A_191 = tpu.memref_slice %arg5[%mul3A_189] : memref<512xi32, #tpu.memory_space<vmem>> -> memref<32xi32, #tpu.memory_space<vmem>>
        %dma_start3A_192 = arith.constant 0 : i32
        %dma_start3A_193 = arith.constant 0 : i32
        %dma_start3A_194 = tpu.memref_slice %arg3[%dma_start3A_192, %dma_start3A_193] : memref<100000x1024xf32, #tpu.memory_space<hbm>> -> memref<100000x1024xf32, #tpu.memory_space<hbm>>
        %dma_start3A_195 = tpu.memref_slice %arg9[%dma_start3A_190] : memref<3x!tpu.dma_semaphore, #tpu.memory_space<semaphore_mem>> -> memref<1x!tpu.dma_semaphore, #tpu.memory_space<semaphore_mem>>
        %dma_start3A_196 = tpu.memref_squeeze %dma_start3A_195 : memref<1x!tpu.dma_semaphore, #tpu.memory_space<semaphore_mem>> -> memref<!tpu.dma_semaphore, #tpu.memory_space<semaphore_mem>>
        tpu.enqueue_indirect_dma source(%dma_start3A_194 : memref<100000x1024xf32, #tpu.memory_space<hbm>>) target(%arg6 : memref<32x1024xf32, #tpu.memory_space<vmem>>) offsets(%dma_start3A_191 : memref<32xi32, #tpu.memory_space<vmem>>) semaphore(%dma_start3A_196 : memref<!tpu.dma_semaphore, #tpu.memory_space<semaphore_mem>>)
      } else {
      }
      %add3A_90 = arith.constant 3 : i32
      %add3A_91 = arith.addi %add3A_64, %add3A_90 : i32
      %ge3A = arith.constant 16 : i32
      %ge3A_92 = arith.cmpi sge, %add3A_91, %ge3A : i32
      %convert_element_type3A_93 = arith.extui %ge3A_92 : i1 to i32
      %cond3A_94 = arith.constant 0 : i32
      %cond3A_95 = arith.cmpi ne, %convert_element_type3A_93, %cond3A_94 : i32
      scf.if %cond3A_95 {
        %mul3A_174 = arith.constant 512 : i32
        %mul3A_175 = arith.muli %add3A, %mul3A_174 : i32
        %mul3A_176 = arith.constant 32 : i32
        %mul3A_177 = arith.muli %add3A_64, %mul3A_176 : i32
        %add3A_178 = arith.addi %mul3A_175, %mul3A_177 : i32
        %dma_wait3A_179 = arith.constant 0 : i32
        %dma_wait3A_180 = arith.constant 0 : i32
        %dma_wait3A_181 = tpu.memref_slice %arg4[%add3A_178, %dma_wait3A_180] : memref<16384x1024xf32, #tpu.memory_space<hbm>> -> memref<32x1024xf32, #tpu.memory_space<hbm>>
        %dma_wait3A_182 = tpu.memref_slice %arg10[%dma_wait3A_179] : memref<3x!tpu.dma_semaphore, #tpu.memory_space<semaphore_mem>> -> memref<1x!tpu.dma_semaphore, #tpu.memory_space<semaphore_mem>>
        %dma_wait3A_183 = tpu.memref_squeeze %dma_wait3A_182 : memref<1x!tpu.dma_semaphore, #tpu.memory_space<semaphore_mem>> -> memref<!tpu.dma_semaphore, #tpu.memory_space<semaphore_mem>>
        %dma_wait3A_184 = arith.constant 0 : i32
        %dma_wait3A_185 = tpu.memref_slice %arg4[%add3A_178, %dma_wait3A_184] : memref<16384x1024xf32, #tpu.memory_space<hbm>> -> memref<32x1024xf32, #tpu.memory_space<hbm>>
        tpu.wait_dma2 semaphore(%dma_wait3A_183 : memref<!tpu.dma_semaphore, #tpu.memory_space<semaphore_mem>>) src(%arg6 : memref<32x1024xf32, #tpu.memory_space<vmem>>) dst(%dma_wait3A_185 : memref<32x1024xf32, #tpu.memory_space<hbm>>)
      } else {
      }
      %mul3A_96 = arith.constant 3 : i32
      %mul3A_97 = arith.muli %scan3A_60, %mul3A_96 : i32
      %add3A_98 = arith.constant 1 : i32
      %add3A_99 = arith.addi %mul3A_97, %add3A_98 : i32
      %mul3A_100 = arith.constant 32 : i32
      %mul3A_101 = arith.muli %add3A_99, %mul3A_100 : i32
      %dma_wait3A_102 = arith.constant 1 : i32
      %dma_wait3A_103 = tpu.memref_slice %arg5[%mul3A_101] : memref<512xi32, #tpu.memory_space<vmem>> -> memref<32xi32, #tpu.memory_space<vmem>>
      %dma_wait3A_104 = arith.constant 0 : i32
      %dma_wait3A_105 = arith.constant 0 : i32
      %dma_wait3A_106 = tpu.memref_slice %arg3[%dma_wait3A_104, %dma_wait3A_105] : memref<100000x1024xf32, #tpu.memory_space<hbm>> -> memref<100000x1024xf32, #tpu.memory_space<hbm>>
      %dma_wait3A_107 = tpu.memref_slice %arg9[%dma_wait3A_102] : memref<3x!tpu.dma_semaphore, #tpu.memory_space<semaphore_mem>> -> memref<1x!tpu.dma_semaphore, #tpu.memory_space<semaphore_mem>>
      %dma_wait3A_108 = tpu.memref_squeeze %dma_wait3A_107 : memref<1x!tpu.dma_semaphore, #tpu.memory_space<semaphore_mem>> -> memref<!tpu.dma_semaphore, #tpu.memory_space<semaphore_mem>>
      tpu.wait_indirect_dma semaphore(%dma_wait3A_108 : memref<!tpu.dma_semaphore, #tpu.memory_space<semaphore_mem>>) src(%dma_wait3A_106 : memref<100000x1024xf32, #tpu.memory_space<hbm>>) dst(%arg7 : memref<32x1024xf32, #tpu.memory_space<vmem>>)
      %mul3A_109 = arith.constant 512 : i32
      %mul3A_110 = arith.muli %add3A, %mul3A_109 : i32
      %mul3A_111 = arith.constant 32 : i32
      %mul3A_112 = arith.muli %add3A_99, %mul3A_111 : i32
      %add3A_113 = arith.addi %mul3A_110, %mul3A_112 : i32
      %dma_start3A_114 = arith.constant 1 : i32
      %dma_start3A_115 = arith.constant 0 : i32
      %dma_start3A_116 = tpu.memref_slice %arg4[%add3A_113, %dma_start3A_115] : memref<16384x1024xf32, #tpu.memory_space<hbm>> -> memref<32x1024xf32, #tpu.memory_space<hbm>>
      %dma_start3A_117 = tpu.memref_slice %arg10[%dma_start3A_114] : memref<3x!tpu.dma_semaphore, #tpu.memory_space<semaphore_mem>> -> memref<1x!tpu.dma_semaphore, #tpu.memory_space<semaphore_mem>>
      %dma_start3A_118 = tpu.memref_squeeze %dma_start3A_117 : memref<1x!tpu.dma_semaphore, #tpu.memory_space<semaphore_mem>> -> memref<!tpu.dma_semaphore, #tpu.memory_space<semaphore_mem>>
      %dma_start3A_119 = arith.constant 0 : i32
      %dma_start3A_120 = tpu.memref_slice %arg4[%add3A_113, %dma_start3A_119] : memref<16384x1024xf32, #tpu.memory_space<hbm>> -> memref<32x1024xf32, #tpu.memory_space<hbm>>
      tpu.enqueue_dma source(%arg7 : memref<32x1024xf32, #tpu.memory_space<vmem>>) target(%dma_start3A_120 : memref<32x1024xf32, #tpu.memory_space<hbm>>) target_semaphore(%dma_start3A_118 : memref<!tpu.dma_semaphore, #tpu.memory_space<semaphore_mem>>)
      %add3A_121 = arith.constant 3 : i32
      %add3A_122 = arith.addi %add3A_99, %add3A_121 : i32
      %lt3A_123 = arith.constant 16 : i32
      %lt3A_124 = arith.cmpi slt, %add3A_122, %lt3A_123 : i32
      %convert_element_type3A_125 = arith.extui %lt3A_124 : i1 to i32
      %cond3A_126 = arith.constant 0 : i32
      %cond3A_127 = arith.cmpi ne, %convert_element_type3A_125, %cond3A_126 : i32
      scf.if %cond3A_127 {
        %mul3A_174 = arith.constant 512 : i32
        %mul3A_175 = arith.muli %add3A, %mul3A_174 : i32
        %mul3A_176 = arith.constant 32 : i32
        %mul3A_177 = arith.muli %add3A_99, %mul3A_176 : i32
        %add3A_178 = arith.addi %mul3A_175, %mul3A_177 : i32
        %dma_wait3A_179 = arith.constant 1 : i32
        %dma_wait3A_180 = arith.constant 0 : i32
        %dma_wait3A_181 = tpu.memref_slice %arg4[%add3A_178, %dma_wait3A_180] : memref<16384x1024xf32, #tpu.memory_space<hbm>> -> memref<32x1024xf32, #tpu.memory_space<hbm>>
        %dma_wait3A_182 = tpu.memref_slice %arg10[%dma_wait3A_179] : memref<3x!tpu.dma_semaphore, #tpu.memory_space<semaphore_mem>> -> memref<1x!tpu.dma_semaphore, #tpu.memory_space<semaphore_mem>>
        %dma_wait3A_183 = tpu.memref_squeeze %dma_wait3A_182 : memref<1x!tpu.dma_semaphore, #tpu.memory_space<semaphore_mem>> -> memref<!tpu.dma_semaphore, #tpu.memory_space<semaphore_mem>>
        %dma_wait3A_184 = arith.constant 0 : i32
        %dma_wait3A_185 = tpu.memref_slice %arg4[%add3A_178, %dma_wait3A_184] : memref<16384x1024xf32, #tpu.memory_space<hbm>> -> memref<32x1024xf32, #tpu.memory_space<hbm>>
        tpu.wait_dma2 semaphore(%dma_wait3A_183 : memref<!tpu.dma_semaphore, #tpu.memory_space<semaphore_mem>>) src(%arg7 : memref<32x1024xf32, #tpu.memory_space<vmem>>) dst(%dma_wait3A_185 : memref<32x1024xf32, #tpu.memory_space<hbm>>)
        %add3A_186 = arith.constant 3 : i32
        %add3A_187 = arith.addi %add3A_99, %add3A_186 : i32
        %mul3A_188 = arith.constant 32 : i32
        %mul3A_189 = arith.muli %add3A_187, %mul3A_188 : i32
        %dma_start3A_190 = arith.constant 1 : i32
        %dma_start3A_191 = tpu.memref_slice %arg5[%mul3A_189] : memref<512xi32, #tpu.memory_space<vmem>> -> memref<32xi32, #tpu.memory_space<vmem>>
        %dma_start3A_192 = arith.constant 0 : i32
        %dma_start3A_193 = arith.constant 0 : i32
        %dma_start3A_194 = tpu.memref_slice %arg3[%dma_start3A_192, %dma_start3A_193] : memref<100000x1024xf32, #tpu.memory_space<hbm>> -> memref<100000x1024xf32, #tpu.memory_space<hbm>>
        %dma_start3A_195 = tpu.memref_slice %arg9[%dma_start3A_190] : memref<3x!tpu.dma_semaphore, #tpu.memory_space<semaphore_mem>> -> memref<1x!tpu.dma_semaphore, #tpu.memory_space<semaphore_mem>>
        %dma_start3A_196 = tpu.memref_squeeze %dma_start3A_195 : memref<1x!tpu.dma_semaphore, #tpu.memory_space<semaphore_mem>> -> memref<!tpu.dma_semaphore, #tpu.memory_space<semaphore_mem>>
        tpu.enqueue_indirect_dma source(%dma_start3A_194 : memref<100000x1024xf32, #tpu.memory_space<hbm>>) target(%arg7 : memref<32x1024xf32, #tpu.memory_space<vmem>>) offsets(%dma_start3A_191 : memref<32xi32, #tpu.memory_space<vmem>>) semaphore(%dma_start3A_196 : memref<!tpu.dma_semaphore, #tpu.memory_space<semaphore_mem>>)
      } else {
      }
      %add3A_128 = arith.constant 3 : i32
      %add3A_129 = arith.addi %add3A_99, %add3A_128 : i32
      %ge3A_130 = arith.constant 16 : i32
      %ge3A_131 = arith.cmpi sge, %add3A_129, %ge3A_130 : i32
      %convert_element_type3A_132 = arith.extui %ge3A_131 : i1 to i32
      %cond3A_133 = arith.constant 0 : i32
      %cond3A_134 = arith.cmpi ne, %convert_element_type3A_132, %cond3A_133 : i32
      scf.if %cond3A_134 {
        %mul3A_174 = arith.constant 512 : i32
        %mul3A_175 = arith.muli %add3A, %mul3A_174 : i32
        %mul3A_176 = arith.constant 32 : i32
        %mul3A_177 = arith.muli %add3A_99, %mul3A_176 : i32
        %add3A_178 = arith.addi %mul3A_175, %mul3A_177 : i32
        %dma_wait3A_179 = arith.constant 1 : i32
        %dma_wait3A_180 = arith.constant 0 : i32
        %dma_wait3A_181 = tpu.memref_slice %arg4[%add3A_178, %dma_wait3A_180] : memref<16384x1024xf32, #tpu.memory_space<hbm>> -> memref<32x1024xf32, #tpu.memory_space<hbm>>
        %dma_wait3A_182 = tpu.memref_slice %arg10[%dma_wait3A_179] : memref<3x!tpu.dma_semaphore, #tpu.memory_space<semaphore_mem>> -> memref<1x!tpu.dma_semaphore, #tpu.memory_space<semaphore_mem>>
        %dma_wait3A_183 = tpu.memref_squeeze %dma_wait3A_182 : memref<1x!tpu.dma_semaphore, #tpu.memory_space<semaphore_mem>> -> memref<!tpu.dma_semaphore, #tpu.memory_space<semaphore_mem>>
        %dma_wait3A_184 = arith.constant 0 : i32
        %dma_wait3A_185 = tpu.memref_slice %arg4[%add3A_178, %dma_wait3A_184] : memref<16384x1024xf32, #tpu.memory_space<hbm>> -> memref<32x1024xf32, #tpu.memory_space<hbm>>
        tpu.wait_dma2 semaphore(%dma_wait3A_183 : memref<!tpu.dma_semaphore, #tpu.memory_space<semaphore_mem>>) src(%arg7 : memref<32x1024xf32, #tpu.memory_space<vmem>>) dst(%dma_wait3A_185 : memref<32x1024xf32, #tpu.memory_space<hbm>>)
      } else {
      }
      %mul3A_135 = arith.constant 3 : i32
      %mul3A_136 = arith.muli %scan3A_60, %mul3A_135 : i32
      %add3A_137 = arith.constant 2 : i32
      %add3A_138 = arith.addi %mul3A_136, %add3A_137 : i32
      %mul3A_139 = arith.constant 32 : i32
      %mul3A_140 = arith.muli %add3A_138, %mul3A_139 : i32
      %dma_wait3A_141 = arith.constant 2 : i32
      %dma_wait3A_142 = tpu.memref_slice %arg5[%mul3A_140] : memref<512xi32, #tpu.memory_space<vmem>> -> memref<32xi32, #tpu.memory_space<vmem>>
      %dma_wait3A_143 = arith.constant 0 : i32
      %dma_wait3A_144 = arith.constant 0 : i32
      %dma_wait3A_145 = tpu.memref_slice %arg3[%dma_wait3A_143, %dma_wait3A_144] : memref<100000x1024xf32, #tpu.memory_space<hbm>> -> memref<100000x1024xf32, #tpu.memory_space<hbm>>
      %dma_wait3A_146 = tpu.memref_slice %arg9[%dma_wait3A_141] : memref<3x!tpu.dma_semaphore, #tpu.memory_space<semaphore_mem>> -> memref<1x!tpu.dma_semaphore, #tpu.memory_space<semaphore_mem>>
      %dma_wait3A_147 = tpu.memref_squeeze %dma_wait3A_146 : memref<1x!tpu.dma_semaphore, #tpu.memory_space<semaphore_mem>> -> memref<!tpu.dma_semaphore, #tpu.memory_space<semaphore_mem>>
      tpu.wait_indirect_dma semaphore(%dma_wait3A_147 : memref<!tpu.dma_semaphore, #tpu.memory_space<semaphore_mem>>) src(%dma_wait3A_145 : memref<100000x1024xf32, #tpu.memory_space<hbm>>) dst(%arg8 : memref<32x1024xf32, #tpu.memory_space<vmem>>)
      %mul3A_148 = arith.constant 512 : i32
      %mul3A_149 = arith.muli %add3A, %mul3A_148 : i32
      %mul3A_150 = arith.constant 32 : i32
      %mul3A_151 = arith.muli %add3A_138, %mul3A_150 : i32
      %add3A_152 = arith.addi %mul3A_149, %mul3A_151 : i32
      %dma_start3A_153 = arith.constant 2 : i32
      %dma_start3A_154 = arith.constant 0 : i32
      %dma_start3A_155 = tpu.memref_slice %arg4[%add3A_152, %dma_start3A_154] : memref<16384x1024xf32, #tpu.memory_space<hbm>> -> memref<32x1024xf32, #tpu.memory_space<hbm>>
      %dma_start3A_156 = tpu.memref_slice %arg10[%dma_start3A_153] : memref<3x!tpu.dma_semaphore, #tpu.memory_space<semaphore_mem>> -> memref<1x!tpu.dma_semaphore, #tpu.memory_space<semaphore_mem>>
      %dma_start3A_157 = tpu.memref_squeeze %dma_start3A_156 : memref<1x!tpu.dma_semaphore, #tpu.memory_space<semaphore_mem>> -> memref<!tpu.dma_semaphore, #tpu.memory_space<semaphore_mem>>
      %dma_start3A_158 = arith.constant 0 : i32
      %dma_start3A_159 = tpu.memref_slice %arg4[%add3A_152, %dma_start3A_158] : memref<16384x1024xf32, #tpu.memory_space<hbm>> -> memref<32x1024xf32, #tpu.memory_space<hbm>>
      tpu.enqueue_dma source(%arg8 : memref<32x1024xf32, #tpu.memory_space<vmem>>) target(%dma_start3A_159 : memref<32x1024xf32, #tpu.memory_space<hbm>>) target_semaphore(%dma_start3A_157 : memref<!tpu.dma_semaphore, #tpu.memory_space<semaphore_mem>>)
      %add3A_160 = arith.constant 3 : i32
      %add3A_161 = arith.addi %add3A_138, %add3A_160 : i32
      %lt3A_162 = arith.constant 16 : i32
      %lt3A_163 = arith.cmpi slt, %add3A_161, %lt3A_162 : i32
      %convert_element_type3A_164 = arith.extui %lt3A_163 : i1 to i32
      %cond3A_165 = arith.constant 0 : i32
      %cond3A_166 = arith.cmpi ne, %convert_element_type3A_164, %cond3A_165 : i32
      scf.if %cond3A_166 {
        %mul3A_174 = arith.constant 512 : i32
        %mul3A_175 = arith.muli %add3A, %mul3A_174 : i32
        %mul3A_176 = arith.constant 32 : i32
        %mul3A_177 = arith.muli %add3A_138, %mul3A_176 : i32
        %add3A_178 = arith.addi %mul3A_175, %mul3A_177 : i32
        %dma_wait3A_179 = arith.constant 2 : i32
        %dma_wait3A_180 = arith.constant 0 : i32
        %dma_wait3A_181 = tpu.memref_slice %arg4[%add3A_178, %dma_wait3A_180] : memref<16384x1024xf32, #tpu.memory_space<hbm>> -> memref<32x1024xf32, #tpu.memory_space<hbm>>
        %dma_wait3A_182 = tpu.memref_slice %arg10[%dma_wait3A_179] : memref<3x!tpu.dma_semaphore, #tpu.memory_space<semaphore_mem>> -> memref<1x!tpu.dma_semaphore, #tpu.memory_space<semaphore_mem>>
        %dma_wait3A_183 = tpu.memref_squeeze %dma_wait3A_182 : memref<1x!tpu.dma_semaphore, #tpu.memory_space<semaphore_mem>> -> memref<!tpu.dma_semaphore, #tpu.memory_space<semaphore_mem>>
        %dma_wait3A_184 = arith.constant 0 : i32
        %dma_wait3A_185 = tpu.memref_slice %arg4[%add3A_178, %dma_wait3A_184] : memref<16384x1024xf32, #tpu.memory_space<hbm>> -> memref<32x1024xf32, #tpu.memory_space<hbm>>
        tpu.wait_dma2 semaphore(%dma_wait3A_183 : memref<!tpu.dma_semaphore, #tpu.memory_space<semaphore_mem>>) src(%arg8 : memref<32x1024xf32, #tpu.memory_space<vmem>>) dst(%dma_wait3A_185 : memref<32x1024xf32, #tpu.memory_space<hbm>>)
        %add3A_186 = arith.constant 3 : i32
        %add3A_187 = arith.addi %add3A_138, %add3A_186 : i32
        %mul3A_188 = arith.constant 32 : i32
        %mul3A_189 = arith.muli %add3A_187, %mul3A_188 : i32
        %dma_start3A_190 = arith.constant 2 : i32
        %dma_start3A_191 = tpu.memref_slice %arg5[%mul3A_189] : memref<512xi32, #tpu.memory_space<vmem>> -> memref<32xi32, #tpu.memory_space<vmem>>
        %dma_start3A_192 = arith.constant 0 : i32
        %dma_start3A_193 = arith.constant 0 : i32
        %dma_start3A_194 = tpu.memref_slice %arg3[%dma_start3A_192, %dma_start3A_193] : memref<100000x1024xf32, #tpu.memory_space<hbm>> -> memref<100000x1024xf32, #tpu.memory_space<hbm>>
        %dma_start3A_195 = tpu.memref_slice %arg9[%dma_start3A_190] : memref<3x!tpu.dma_semaphore, #tpu.memory_space<semaphore_mem>> -> memref<1x!tpu.dma_semaphore, #tpu.memory_space<semaphore_mem>>
        %dma_start3A_196 = tpu.memref_squeeze %dma_start3A_195 : memref<1x!tpu.dma_semaphore, #tpu.memory_space<semaphore_mem>> -> memref<!tpu.dma_semaphore, #tpu.memory_space<semaphore_mem>>
        tpu.enqueue_indirect_dma source(%dma_start3A_194 : memref<100000x1024xf32, #tpu.memory_space<hbm>>) target(%arg8 : memref<32x1024xf32, #tpu.memory_space<vmem>>) offsets(%dma_start3A_191 : memref<32xi32, #tpu.memory_space<vmem>>) semaphore(%dma_start3A_196 : memref<!tpu.dma_semaphore, #tpu.memory_space<semaphore_mem>>)
      } else {
      }
      %add3A_167 = arith.constant 3 : i32
      %add3A_168 = arith.addi %add3A_138, %add3A_167 : i32
      %ge3A_169 = arith.constant 16 : i32
      %ge3A_170 = arith.cmpi sge, %add3A_168, %ge3A_169 : i32
      %convert_element_type3A_171 = arith.extui %ge3A_170 : i1 to i32
      %cond3A_172 = arith.constant 0 : i32
      %cond3A_173 = arith.cmpi ne, %convert_element_type3A_171, %cond3A_172 : i32
      scf.if %cond3A_173 {
        %mul3A_174 = arith.constant 512 : i32
        %mul3A_175 = arith.muli %add3A, %mul3A_174 : i32
        %mul3A_176 = arith.constant 32 : i32
        %mul3A_177 = arith.muli %add3A_138, %mul3A_176 : i32
        %add3A_178 = arith.addi %mul3A_175, %mul3A_177 : i32
        %dma_wait3A_179 = arith.constant 2 : i32
        %dma_wait3A_180 = arith.constant 0 : i32
        %dma_wait3A_181 = tpu.memref_slice %arg4[%add3A_178, %dma_wait3A_180] : memref<16384x1024xf32, #tpu.memory_space<hbm>> -> memref<32x1024xf32, #tpu.memory_space<hbm>>
        %dma_wait3A_182 = tpu.memref_slice %arg10[%dma_wait3A_179] : memref<3x!tpu.dma_semaphore, #tpu.memory_space<semaphore_mem>> -> memref<1x!tpu.dma_semaphore, #tpu.memory_space<semaphore_mem>>
        %dma_wait3A_183 = tpu.memref_squeeze %dma_wait3A_182 : memref<1x!tpu.dma_semaphore, #tpu.memory_space<semaphore_mem>> -> memref<!tpu.dma_semaphore, #tpu.memory_space<semaphore_mem>>
        %dma_wait3A_184 = arith.constant 0 : i32
        %dma_wait3A_185 = tpu.memref_slice %arg4[%add3A_178, %dma_wait3A_184] : memref<16384x1024xf32, #tpu.memory_space<hbm>> -> memref<32x1024xf32, #tpu.memory_space<hbm>>
        tpu.wait_dma2 semaphore(%dma_wait3A_183 : memref<!tpu.dma_semaphore, #tpu.memory_space<semaphore_mem>>) src(%arg8 : memref<32x1024xf32, #tpu.memory_space<vmem>>) dst(%dma_wait3A_185 : memref<32x1024xf32, #tpu.memory_space<hbm>>)
      } else {
      }
    }
    %scan3A_30 = arith.constant 5 : i32
    %dma_wait3A = arith.constant 0 : i32
    %dma_wait3A_31 = arith.constant 480 : i32
    %dma_wait3A_32 = tpu.memref_slice %arg5[%dma_wait3A_31] : memref<512xi32, #tpu.memory_space<vmem>> -> memref<32xi32, #tpu.memory_space<vmem>>
    %dma_wait3A_33 = arith.constant 0 : i32
    %dma_wait3A_34 = arith.constant 0 : i32
    %dma_wait3A_35 = tpu.memref_slice %arg3[%dma_wait3A_33, %dma_wait3A_34] : memref<100000x1024xf32, #tpu.memory_space<hbm>> -> memref<100000x1024xf32, #tpu.memory_space<hbm>>
    %dma_wait3A_36 = tpu.memref_slice %arg9[%dma_wait3A] : memref<3x!tpu.dma_semaphore, #tpu.memory_space<semaphore_mem>> -> memref<1x!tpu.dma_semaphore, #tpu.memory_space<semaphore_mem>>
    %dma_wait3A_37 = tpu.memref_squeeze %dma_wait3A_36 : memref<1x!tpu.dma_semaphore, #tpu.memory_space<semaphore_mem>> -> memref<!tpu.dma_semaphore, #tpu.memory_space<semaphore_mem>>
    tpu.wait_indirect_dma semaphore(%dma_wait3A_37 : memref<!tpu.dma_semaphore, #tpu.memory_space<semaphore_mem>>) src(%dma_wait3A_35 : memref<100000x1024xf32, #tpu.memory_space<hbm>>) dst(%arg6 : memref<32x1024xf32, #tpu.memory_space<vmem>>)
    %mul3A_38 = arith.constant 512 : i32
    %mul3A_39 = arith.muli %add3A, %mul3A_38 : i32
    %add3A_40 = arith.constant 480 : i32
    %add3A_41 = arith.addi %mul3A_39, %add3A_40 : i32
    %dma_start3A_42 = arith.constant 0 : i32
    %dma_start3A_43 = arith.constant 0 : i32
    %dma_start3A_44 = tpu.memref_slice %arg4[%add3A_41, %dma_start3A_43] : memref<16384x1024xf32, #tpu.memory_space<hbm>> -> memref<32x1024xf32, #tpu.memory_space<hbm>>
    %dma_start3A_45 = tpu.memref_slice %arg10[%dma_start3A_42] : memref<3x!tpu.dma_semaphore, #tpu.memory_space<semaphore_mem>> -> memref<1x!tpu.dma_semaphore, #tpu.memory_space<semaphore_mem>>
    %dma_start3A_46 = tpu.memref_squeeze %dma_start3A_45 : memref<1x!tpu.dma_semaphore, #tpu.memory_space<semaphore_mem>> -> memref<!tpu.dma_semaphore, #tpu.memory_space<semaphore_mem>>
    %dma_start3A_47 = arith.constant 0 : i32
    %dma_start3A_48 = tpu.memref_slice %arg4[%add3A_41, %dma_start3A_47] : memref<16384x1024xf32, #tpu.memory_space<hbm>> -> memref<32x1024xf32, #tpu.memory_space<hbm>>
    tpu.enqueue_dma source(%arg6 : memref<32x1024xf32, #tpu.memory_space<vmem>>) target(%dma_start3A_48 : memref<32x1024xf32, #tpu.memory_space<hbm>>) target_semaphore(%dma_start3A_46 : memref<!tpu.dma_semaphore, #tpu.memory_space<semaphore_mem>>)
    %mul3A_49 = arith.constant 512 : i32
    %mul3A_50 = arith.muli %add3A, %mul3A_49 : i32
    %add3A_51 = arith.constant 480 : i32
    %add3A_52 = arith.addi %mul3A_50, %add3A_51 : i32
    %dma_wait3A_53 = arith.constant 0 : i32
    %dma_wait3A_54 = arith.constant 0 : i32
    %dma_wait3A_55 = tpu.memref_slice %arg4[%add3A_52, %dma_wait3A_54] : memref<16384x1024xf32, #tpu.memory_space<hbm>> -> memref<32x1024xf32, #tpu.memory_space<hbm>>
    %dma_wait3A_56 = tpu.memref_slice %arg10[%dma_wait3A_53] : memref<3x!tpu.dma_semaphore, #tpu.memory_space<semaphore_mem>> -> memref<1x!tpu.dma_semaphore, #tpu.memory_space<semaphore_mem>>
    %dma_wait3A_57 = tpu.memref_squeeze %dma_wait3A_56 : memref<1x!tpu.dma_semaphore, #tpu.memory_space<semaphore_mem>> -> memref<!tpu.dma_semaphore, #tpu.memory_space<semaphore_mem>>
    %dma_wait3A_58 = arith.constant 0 : i32
    %dma_wait3A_59 = tpu.memref_slice %arg4[%add3A_52, %dma_wait3A_58] : memref<16384x1024xf32, #tpu.memory_space<hbm>> -> memref<32x1024xf32, #tpu.memory_space<hbm>>
    tpu.wait_dma2 semaphore(%dma_wait3A_57 : memref<!tpu.dma_semaphore, #tpu.memory_space<semaphore_mem>>) src(%arg6 : memref<32x1024xf32, #tpu.memory_space<vmem>>) dst(%dma_wait3A_59 : memref<32x1024xf32, #tpu.memory_space<hbm>>)
    return
  }
}

</mosaic_0001>

<sc_bundles>
// kernel: kernel.3.cloned.1.call-start
scs
__scs_entry_jumppad:
0x0: {  	(pc) =	sbr.rel $0x88, $3  }
0x1: {  	(tag) =	ssettag $0x0;
	lr =	simm.s32 $0x1  }
0x2: {  	[smem:$0x3F9F] =	sst lr;
	_ =	strace $0xD0000000  }
0x3: {  	_ = 	snop  }
0x4: {  	_ = 	snop  }
0x5: {  	_ = 	snop  }
0x6: {  	_ = 	snop  }
0x7: {  	_ = 	snop  }
__scs_overlays_trampoline_lowered:
0x8: {  	[smem:$0x3FAE] =	sst s0  }
0x9: {  	[smem:$0x3FAF] =	sst s1  }
0xa: {  	[smem:$0x3FB0] =	sst s2  }
0xb: {  	[smem:$0x3FB1] =	sst s3  }
0xc: {  	[smem:$0x3FB2] =	sst s4  }
0xd: {  	[smem:$0x3FB3] =	sst s5  }
0xe: {  	[smem:$0x3FB4] =	sst s6  }
0xf: {  	[smem:$0x3FB5] =	sst s7  }
0x10: {  	[smem:$0x3FB6] =	sst s8  }
0x11: {  	[smem:$0x3FB7] =	sst s9;
	s0 =	simm.s32 @!p0 $0x0  }
0x12: {  	s1 =	sld [smem:$0x3F9D];
	s0 =	simm.s32 @p0 $0x1  }
0x13: {  	[smem:$0x3FB8] =	sst s0;
	s0 =	simm.s32 @!p1 $0x0  }
0x14: {  	s2 =	sld [smem:$0x3F9C];
	s0 =	simm.s32 @p1 $0x1  }
0x15: {  	[smem:$0x3FB9] =	sst s0;
	s0 =	simm.s32 @!p2 $0x0  }
0x16: {  	s3 =	sld [smem:$0x3FDB];
	s0 =	simm.s32 @p2 $0x1  }
0x17: {  	s4 =	simm.s32 $0x1BF5;
	[smem:$0x3FBB] =	sst s0  }
0x18: {  	s0 =	sld [smem:$0x3F9E];
	_ =	swait.ge [sflag:s4], $0x0  }
0x19: {  	s7 =	sld [smem:$0x3F9F]  }
0x1a: {  	s8 =	sadd.s32 $0xFFFFE003, lr  }
0x1b: {  	s9 =	sadd.s32 $0xFFFFFEF7, lr;
	s5 =	simm.s32 $0xFFFFFFFF;
	p2 =	slt.u32 s8, $0xFFFFF086  }
0x1c: {  	p1 =	slt.u32 s9, $0xF7A;
	s5 =	simm.s32 @!p2 $0x0  }
0x1d: {  	s5 =	simm.s32 @p1 $0x1;
	p0 =	seq.s32 s7, s2  }
0x1e: {  	s7 =	smul.u32 @!p0 $0xF7A, s2;
	p2 =	seq.s32 @!p0 s5, $0x0  }
0x1f: {  	s9 =	smul.u32 $0xF7A, s1;
	s8 =	simm.s32 @!p0 $0x1BF5;
	p2 =	por !p2, p0  }
0x20: {  	[sflag:s8] =	ssyncset.s32 @!p0 $0xFFFFF086;
	s6 =	sadd.s32 @!p0 s3, s7;
	s7 =	simm.s32 @!p0 $0x108  }
0x21: {  	s3 =	sadd.s32 s3, s9;
	s6 =	sadd.s32 @!p0 $0x88, s6;
	s7 =	simm.s32 @p2 $0x1082  }
0x22: {  	[simem:s7], [sflag:s8] =	dma.local @!p0 [hbm:s6], $0xF7A  }
0x23: {  	s9 =	sor.u32 $0xD0000000, s2;
	s6 =	simm.s32 $0x108;
	_ =	swait.ge @!p0 [sflag:s8], $0x0  }
0x24: {  	s3 =	sadd.s32 $0x88, s3;
	s6 =	simm.s32 @!p1 $0x1082;
	[sflag:s4] =	ssyncset.s32 $0xFFFFF086  }
0x25: {  	[simem:s6], [sflag:s4] =	dma.local [hbm:s3], $0xF7A  }
0x26: {  	[smem:$0x3F9F] =	sst s1;
	(tag) =	ssettag s2;
	_ =	strace s9  }
0x27: {  	s1 =	sld [smem:$0x3FAF]  }
0x28: {  	s2 =	sld [smem:$0x3FB0]  }
0x29: {  	s4 =	sld [smem:$0x3FB2]  }
0x2a: {  	p0 =	seq.s32 s5, $0x0;
	s5 =	sld [smem:$0x3FB3]  }
0x2b: {  	s6 =	sld [smem:$0x3FB4]  }
0x2c: {  	s7 =	sld [smem:$0x3FB5]  }
0x2d: {  	s3 =	simm.s32 $0x108;
	s8 =	sld [smem:$0x3FB6]  }
0x2e: {  	s3 =	simm.s32 @!p0 $0x1082;
	s9 =	sld [smem:$0x3FB7]  }
0x2f: {  	lr =	sadd.s32 s0, s3;
	s0 =	sld [smem:$0x3FAE]  }
0x30: {  	s3 =	sld [smem:$0x3FB1]  }
0x31: {  	[smem:$0x3FBA] =	sst s10  }
0x32: {  	s10 =	sld [smem:$0x3FB8];
	_ =	sdelay $0x3  }
0x33: {  	p0 =	seq.s32 s10, $0x1;
	s10 =	sld [smem:$0x3FBA];
	_ =	sdelay $0x3  }
0x34: {  	[smem:$0x3FBA] =	sst s10  }
0x35: {  	s10 =	sld [smem:$0x3FB9];
	_ =	sdelay $0x3  }
0x36: {  	p1 =	seq.s32 s10, $0x1;
	s10 =	sld [smem:$0x3FBA];
	_ =	sdelay $0x3  }
0x37: {  	[smem:$0x3FBA] =	sst s10  }
0x38: {  	s10 =	sld [smem:$0x3FBB]  }
0x39: {  	_ = 	snop;
	(pc) =	sbr.ind lr, $3  }
0x3a: {  	_ = 	snop  }
0x3b: {  	_ = 	snop  }
0x3c: {  	p2 =	seq.s32 s10, $0x1;
	s10 =	sld [smem:$0x3FBA]  }
0x3d: {  	_ =	shalt  }
0x3e: {  	_ =	shalt  }
0x3f: {  	_ =	shalt  }
0x40: {  	_ =	shalt  }
0x41: {  	_ =	shalt  }
0x42: {  	_ =	shalt  }
0x43: {  	_ =	shalt  }
0x44: {  	_ =	shalt  }
0x45: {  	_ =	shalt  }
0x46: {  	_ =	shalt  }
0x47: {  	_ =	shalt  }
0x48: {  	_ =	shalt  }
0x49: {  	_ =	shalt  }
0x4a: {  	_ =	shalt  }
0x4b: {  	_ =	shalt  }
0x4c: {  	_ =	shalt  }
0x4d: {  	_ =	shalt  }
0x4e: {  	_ =	shalt  }
0x4f: {  	_ =	shalt  }
0x50: {  	_ =	shalt  }
0x51: {  	_ =	shalt  }
0x52: {  	_ =	shalt  }
0x53: {  	_ =	shalt  }
0x54: {  	_ =	shalt  }
0x55: {  	_ =	shalt  }
0x56: {  	_ =	shalt  }
0x57: {  	_ =	shalt  }
0x58: {  	_ =	shalt  }
0x59: {  	_ =	shalt  }
0x5a: {  	_ =	shalt  }
0x5b: {  	_ =	shalt  }
0x5c: {  	_ =	shalt  }
0x5d: {  	_ =	shalt  }
0x5e: {  	_ =	shalt  }
0x5f: {  	_ =	shalt  }
0x60: {  	_ =	shalt  }
0x61: {  	_ =	shalt  }
0x62: {  	_ =	shalt  }
0x63: {  	_ =	shalt  }
0x64: {  	_ =	shalt  }
0x65: {  	_ =	shalt  }
0x66: {  	_ =	shalt  }
0x67: {  	_ =	shalt  }
0x68: {  	_ =	shalt  }
0x69: {  	_ =	shalt  }
0x6a: {  	_ =	shalt  }
0x6b: {  	_ =	shalt  }
0x6c: {  	_ =	shalt  }
0x6d: {  	_ =	shalt  }
0x6e: {  	_ =	shalt  }
0x6f: {  	_ =	shalt  }
0x70: {  	_ =	shalt  }
0x71: {  	_ =	shalt  }
0x72: {  	_ =	shalt  }
0x73: {  	_ =	shalt  }
0x74: {  	_ =	shalt  }
0x75: {  	_ =	shalt  }
0x76: {  	_ =	shalt  }
0x77: {  	_ =	shalt  }
0x78: {  	_ =	shalt  }
0x79: {  	_ =	shalt  }
0x7a: {  	_ =	shalt  }
0x7b: {  	_ =	shalt  }
0x7c: {  	_ =	shalt  }
0x7d: {  	_ =	shalt  }
0x7e: {  	_ =	shalt  }
0x7f: {  	_ =	shalt  }
0x80: {  	_ =	shalt  }
0x81: {  	_ =	shalt  }
0x82: {  	_ =	shalt  }
0x83: {  	_ =	shalt  }
0x84: {  	_ =	shalt  }
0x85: {  	_ =	shalt  }
0x86: {  	_ =	shalt  }
0x87: {  	_ =	shalt  }
.Lfunc_end0:
.L_simem_size_0:
called_computation_lowered:
.L_overlay_start_0:
0x88: {  	s2 =	sld [smem:$0x3FD9]  }
0x89: {  	s3 =	sld [smem:$0x3FFE];
	_ =	sdelay $0x1  }
0x8a: {  	s1 =	srdreg.scid  }
0x8b: {  	s0 =	sand.u32 $0x1, s1  }
0x8c: {  	s17 =	sshll.u32 s0, $0xA;
	s2 =	sadd.s32 s3, s2  }
0x8d: {  	s2 =	sadd.s32 s2, s17  }
0x8e: {  	[smem:$0x3FC6] =	sst s2  }
0x8f: {  	_ = 	snop  }
0x90: {  	s2 =	sld [smem:$0x3FC8]  }
0x91: {  	s18 =	sld [smem:$0x3FD0];
	(tm) =	ssettm $0x1  }
0x92: {  	s4 =	sld [smem:$0x3FFB];
	_ =	sdelay $0x3  }
0x93: {  	_ =	strace s4  }
0x94: {  	s4 =	sld [smem:$0x3FFC];
	_ =	sdelay $0x3  }
0x95: {  	_ =	strace s4  }
0x96: {  	s4 =	sld [smem:$0x3FFD];
	_ =	sdelay $0x3  }
0x97: {  	_ =	strace s4  }
0x98: {  	_ =	strace $0x8FFFFFFF  }
0x99: {  	s19 =	sld [smem:$0x3FDB];
	_ =	sdelay $0x1  }
0x9a: {  	s5 =	simm.s32 $_scs_section_size  }
0x9b: {  	s6 =	simm.s32 $_size__tile_overlayer_lowered;
	s7 =	simm.s32 $_tile_overlayer_lowered  }
0x9c: {  	s22 =	simm.s32 $0x1BFF;
	s21 =	sshll.u32 s7, $0x1;
	s4 =	sadd.s32 s5, s19  }
0x9d: {  	s8 =	simm.s32 $0x0;
	s20 =	sshll.u32 s6, $0x1;
	s6 =	sadd.s32 s21, s4  }
0x9e: {  	[timem:s8], [sflag:s22] =	dma.local [hbm:s6], s20  }
0x9f: {  	_ =	swait.ge [sflag:s22], s20  }
0xa0: {  	s5 =	ssub.s32 $0x0, s20;
	[sflag:s22] =	ssyncset.done $0x0  }
0xa1: {  	[sflag:s22] =	ssyncadd.s32 s5;
	_ =	sdelay $0x1  }
0xa2: {  	s23 =	simm.s32 $0x1B8B  }
0xa3: {  	_ =	swait.ge [sflag:s23], $0x1  }
0xa4: {  	[sflag:s23] =	ssyncset.done $0x0  }
0xa5: {  	s25 =	simm.s32 $0x1B8E;
	s24 =	sld [smem:$0x3FFE];
	[sflag:s23] =	ssyncadd.s32 $0xFFFFFFFF  }
0xa6: {  	s26 =	simm.s32 $execute0_lowered;
	[smem:$0x3FD2] =	sst s25  }
0xa7: {  	s6 =	sshll.u32 s26, $0x1;
	_ =	strace $0x80000046;
	[dreg:$0x1] =	wrdreg $0xFFFFFFFF  }
0xa8: {  	s28 =	simm.s32 $_size_execute0_lowered;
	s4 =	sadd.s32 s4, s6;
	[dreg:$0x0] =	wrdreg $0x0  }
0xa9: {  	s6 =	sshll.u32 s28, $0x1;
	[dreg:$0x2] =	wrdreg s4  }
0xaa: {  	[dreg:$0x3] =	wrdreg s6  }
0xab: {  	[dreg:$0x4] =	wrdreg $0xC0  }
0xac: {  	_ =	task [dreg:s8], $0x5FFFF  }
0xad: {  	[dreg:$0x1] =	wrdreg $0xFFFFFFFF  }
0xae: {  	[dreg:$0x0] =	wrdreg $0x60  }
0xaf: {  	[dreg:$0x2] =	wrdreg s24  }
0xb0: {  	[dreg:$0x3] =	wrdreg s2  }
0xb1: {  	[dreg:$0x4] =	wrdreg s18  }
0xb2: {  	[dreg:$0x5] =	wrdreg $0x9  }
0xb3: {  	_ =	task.clear_ibuf [dreg:s8], $0x6FFFF;
	_ =	strace $0x90000046  }
0xb4: {  	s29 =	simm.s32 $0x9;
	_ =	strace $0x80000048  }
0xb5: {  	_ =	swait.ge [sflag:s29], $0x1  }
0xb6: {  	[sflag:s29] =	ssyncadd.s32 $0xFFFFFFFF  }
0xb7: {  	_ =	strace $0x90000048  }
0xb8: {  	_ =	sfence  }
0xb9: {  	s30 =	sld [smem:$0x0];
	_ =	sdelay $0x2  }
0xba: {  	s31 =	sshll.u32 s1, $0xD;
	s1 =	sshrl.u32 s1, $0x2  }
0xbb: {  	s3 =	sand.u32 $0x4000, s31;
	s1 =	sadd.s32 s1, s30  }
0xbc: {  	s0 =	sor.u32 s3, s0;
	s1 =	sshll.u32 s1, $0x11  }
0xbd: {  	s0 =	sor.u32 s1, s0  }
0xbe: {  	s0 =	sadd.s32 $0x8F2B, s0  }
0xbf: {  	[sflag:s0] =	ssyncadd.remote.s32 $0x1  }
0xc0: {  	_ =	sfence.sel $0xFFFF  }
0xc1: {  	[dreg:$0x0] =	wrdreg $0xFFFFFFFF;
	(pc) =	sbr.abs _section_cstart, $3  }
0xc2: {  	[dreg:$0x1] =	wrdreg $0xFFFFFFFF  }
0xc3: {  	_ =	task.clear_ibuf [dreg:s8], $0x2FFFF;
	_ =	strace $0x9FFFFFFF  }
0xc4: {  	(tm) =	ssettm $0x7FFFFFFF  }
0xc5: {  	_ =	shalt  }
tec
execute0_lowered:
.L_overlay_start_1:
0x0: {  	(tag) =	ssettag $0x1  }
0x1: {  	s0 =	rddreg [dreg:$0x0]  }
0x2: {  	s1 =	srdreg.scid;
	s2 =	rddreg [dreg:$0x1]  }
0x3: {  	s9 =	stileid.u32;
	s4 =	rddreg [dreg:$0x2];
	s3 =	simm.s32 $0x0  }
0x4: {  	s12 =	simm.s32 $0x200;
	s11 =	simm.s32 $0x13A00;
	s13 =	simm.s32 $0x14200  }
0x5: {  	s14 =	simm.s32 $0x14A00;
	s15 =	simm.s32 $0x15200;
	s16 =	simm.s32 $0x15A00  }
0x6: {  	s17 =	simm.s32 $0x16200;
	s18 =	simm.s32 $0x16A00;
	s19 =	simm.s32 $0x17200  }
0x7: {  	s20 =	simm.s32 $0x17A00;
	s21 =	simm.s32 $0x1;
	s22 =	simm.s32 $0x4  }
0x8: {  	s23 =	simm.s32 $0x2;
	s24 =	simm.s32 $0x5;
	s25 =	simm.s32 $0x3  }
0x9: {  	s26 =	simm.s32 $0x6;
	s28 =	simm.s32 $0x0;
	s1 =	sand.u32 $0x1, s1  }
0xa: {  	s5 =	sshll.u32 s9, $0xA;
	[smem:$0x7FF] =	sst s3;
	s31 =	sshll.u32 s9, $0x11  }
0xb: {  	s9 =	simm.s32 $0x13200;
	s6 =	sshll.u32 s1, $0x9;
	s7 =	ssub.s32 $0x2, s1  }
0xc: {  	_ =	strace $0x80000047;
	s5 =	sor.u32 s6, s5;
	s29 =	sshrl.u32 s7, $0x1  }
0xd: {  	s1 =	sshll.u32 s1, $0x10;
	s6 =	sshrl.u32 s5, $0x3;
	s8 =	ssub.s32 s7, s29  }
0xe: {  	s30 =	sshll.u32 s5, $0x7;
	s5 =	sadd.s32 $0x100, s2;
	s0 =	sadd.s32 s6, s0  }
.Ltmp0:
0xf: {  	s7 =	sadd.s32 $0x300, s2;
	s0 =	sadd.s32 $0x400, s0;
	(pc) =	sbr.rel .LBB2_1-.Ltmp0, $4  }
0x10: {  	s8 =	smax.u32 s8, $0x1;
	[dreg:$0x4] =	wrdreg s0;
	s0 =	sadd.s32 s30, s4  }
0x11: {  	v2 =	vlaneseq.u32;
	s6 =	sadd.s32 $0x200, s2;
	[dreg:$0x6] =	wrdreg s8;
	s0 =	sadd.s32 $0xF000, s0  }
0x12: {  	vm0 =	vmmov $0xffff;
	v1 =	vshrl.u32 v2, $0x3;
	s8 =	simm.s32 $0x12A00;
	[dreg:$0x5] =	wrdreg s0;
	s0 =	sadd.s32 s31, s4  }
0x13: {  	v0 =	vand.u32 $0x7, v2;
	v2 =	vor.u32 $0x8, v2;
	v1 =	vmul.u32 $0x8, v1;
	s4 =	simm.s32 $0x12200;
	s10 =	sadd.s32 s1, s0;
	s0 =	simm.s32 $0x10200  }
.LBB2_4:
0x14: {  	_ =	swait.ge [sflag:s21], $0x8000  }
0x15: {  	[sflag:s21] =	ssyncset.done $0x0  }
0x16: {  	s1 =	rddreg [dreg:$0x5];
	[sflag:s21] =	ssyncadd.s32 $0xFFFF8000  }
0x17: {  	[hbm4b:s1+s3] =	stream.linear.scatter [tilespmem:s12], [sflag:$0x4], $0x8000, $0x38;
	[tilespmem:$0x18200] =	vst v63  }
0x18: {  	_ =	swait.ge [sflag:s22], $0x8000  }
0x19: {  	s28 =	rddreg [dreg:$0x7]  }
0x1a: {  	s31 =	rddreg [dreg:$0x6];
	s28 =	sadd.s32 $0x1, s28  }
0x1b: {  	p0 =	sne.s32 s28, s31  }
.Ltmp1:
0x1c: {  	_ = 	snop;
	(pc) =	sbr.rel @!p0 .LBB2_5-.Ltmp1, $3  }
0x1d: {  	_ =	sdelay $0x1  }
0x1e: {  	[sflag:s22] =	ssyncset.done $0x0  }
0x1f: {  	[sflag:s22] =	ssyncadd.s32 $0xFFFF8000  }
.LBB2_1:
0x20: {  	[dreg:$0x7] =	wrdreg s28  }
0x21: {  	s1 =	rddreg [dreg:$0x4];
	s31 =	simm.s32 $0x7  }
0x22: {  	[tilespmem:s3], [sflag:$0x7] =	stream.linear.gather [hbm4b:s1+s3], $0x200, $0x38;
	[tilespmem:$0x18200] =	vst v63  }
0x23: {  	_ =	swait.ge [sflag:s31], $0x200  }
0x24: {  	[sflag:s31] =	ssyncset.done $0x0  }
0x25: {  	[sflag:s31] =	ssyncadd.s32 $0xFFFFFE00  }
0x26: {  	v3 =	vld [tilespmem:$0x0];
	_ =	sdelay $0x4  }
0x27: {  	v4 =	vshll.u32 v3, $0x3  }
0x28: {  	v3 =	vand.u32 $0x7, v3;
	v4 =	vand.u32 $0xFFFFFFC0, v4  }
0x29: {  	v3 =	vor.u32 v3, v4  }
0x2a: {  	v4 =	vperm.xlane v3, v0;
	_ =	sdelay $0x1  }
0x2b: {  	v4 =	vadd.s32 v1, v4;
	_ =	sdelay $0x4  }
0x2c: {  	[tilespmem:s12], [sflag:$0x1] =	stream.indirect_vreg.gather [hbm4b:s2+s3], $0x80, v4, vm0, $0xb8;
	[tilespmem:$0x18200] =	vst v63  }
0x2d: {  	s30 =	simm.s32 $0xA00;
	v3 =	vperm.xlane v3, v2  }
0x2e: {  	[tilespmem:s30], [sflag:$0x1] =	stream.indirect_vreg.gather [hbm4b:s5+s3], $0x80, v4, vm0, $0xb8;
	[tilespmem:$0x18200] =	vst v63  }
0x2f: {  	s31 =	simm.s32 $0x1200;
	v3 =	vadd.s32 v1, v3  }
0x30: {  	[tilespmem:s31], [sflag:$0x1] =	stream.indirect_vreg.gather [hbm4b:s6+s3], $0x80, v4, vm0, $0xb8;
	[tilespmem:$0x18200] =	vst v63  }
0x31: {  	s30 =	simm.s32 $0x1A00  }
0x32: {  	[tilespmem:s30], [sflag:$0x1] =	stream.indirect_vreg.gather [hbm4b:s7+s3], $0x80, v4, vm0, $0xb8;
	[tilespmem:$0x18200] =	vst v63  }
0x33: {  	s31 =	simm.s32 $0x2200  }
0x34: {  	[tilespmem:s31], [sflag:$0x1] =	stream.indirect_vreg.gather [hbm4b:s2+s3], $0x80, v3, vm0, $0xb8;
	[tilespmem:$0x18200] =	vst v63  }
0x35: {  	s30 =	simm.s32 $0x2A00  }
0x36: {  	[tilespmem:s30], [sflag:$0x1] =	stream.indirect_vreg.gather [hbm4b:s5+s3], $0x80, v3, vm0, $0xb8;
	[tilespmem:$0x18200] =	vst v63  }
0x37: {  	s31 =	simm.s32 $0x3200  }
0x38: {  	[tilespmem:s31], [sflag:$0x1] =	stream.indirect_vreg.gather [hbm4b:s6+s3], $0x80, v3, vm0, $0xb8;
	[tilespmem:$0x18200] =	vst v63  }
0x39: {  	s30 =	simm.s32 $0x3A00  }
0x3a: {  	[tilespmem:s30], [sflag:$0x1] =	stream.indirect_vreg.gather [hbm4b:s7+s3], $0x80, v3, vm0, $0xb8;
	[tilespmem:$0x18200] =	vst v63  }
0x3b: {  	v3 =	vld [tilespmem:$0x10];
	_ =	sdelay $0x4  }
0x3c: {  	v59 =	vshll.u32 v3, $0x3  }
0x3d: {  	v3 =	vand.u32 $0x7, v3;
	v4 =	vand.u32 $0xFFFFFFC0, v59  }
0x3e: {  	v3 =	vor.u32 v3, v4  }
0x3f: {  	v4 =	vperm.xlane v3, v0;
	_ =	sdelay $0x1  }
0x40: {  	v4 =	vadd.s32 v1, v4;
	_ =	sdelay $0x3  }
0x41: {  	s31 =	simm.s32 $0x4200  }
0x42: {  	[tilespmem:s31], [sflag:$0x1] =	stream.indirect_vreg.gather [hbm4b:s2+s3], $0x80, v4, vm0, $0xb8;
	[tilespmem:$0x18200] =	vst v63  }
0x43: {  	s30 =	simm.s32 $0x4A00;
	v3 =	vperm.xlane v3, v2  }
0x44: {  	[tilespmem:s30], [sflag:$0x1] =	stream.indirect_vreg.gather [hbm4b:s5+s3], $0x80, v4, vm0, $0xb8;
	[tilespmem:$0x18200] =	vst v63  }
0x45: {  	v3 =	vadd.s32 v1, v3;
	s31 =	simm.s32 $0x5200  }
0x46: {  	[tilespmem:s31], [sflag:$0x1] =	stream.indirect_vreg.gather [hbm4b:s6+s3], $0x80, v4, vm0, $0xb8;
	[tilespmem:$0x18200] =	vst v63  }
0x47: {  	s30 =	simm.s32 $0x5A00  }
0x48: {  	[tilespmem:s30], [sflag:$0x1] =	stream.indirect_vreg.gather [hbm4b:s7+s3], $0x80, v4, vm0, $0xb8;
	[tilespmem:$0x18200] =	vst v63  }
0x49: {  	s31 =	simm.s32 $0x6200  }
0x4a: {  	[tilespmem:s31], [sflag:$0x1] =	stream.indirect_vreg.gather [hbm4b:s2+s3], $0x80, v3, vm0, $0xb8;
	[tilespmem:$0x18200] =	vst v63  }
0x4b: {  	s30 =	simm.s32 $0x6A00  }
0x4c: {  	[tilespmem:s30], [sflag:$0x1] =	stream.indirect_vreg.gather [hbm4b:s5+s3], $0x80, v3, vm0, $0xb8;
	[tilespmem:$0x18200] =	vst v63  }
0x4d: {  	s31 =	simm.s32 $0x7200  }
0x4e: {  	[tilespmem:s31], [sflag:$0x1] =	stream.indirect_vreg.gather [hbm4b:s6+s3], $0x80, v3, vm0, $0xb8;
	[tilespmem:$0x18200] =	vst v63  }
0x4f: {  	s30 =	simm.s32 $0x7A00  }
0x50: {  	[tilespmem:s30], [sflag:$0x1] =	stream.indirect_vreg.gather [hbm4b:s7+s3], $0x80, v3, vm0, $0xb8;
	[tilespmem:$0x18200] =	vst v63  }
0x51: {  	v3 =	vld [tilespmem:$0x20];
	_ =	sdelay $0x4  }
0x52: {  	v60 =	vshll.u32 v3, $0x3  }
0x53: {  	v3 =	vand.u32 $0x7, v3;
	v4 =	vand.u32 $0xFFFFFFC0, v60  }
0x54: {  	v3 =	vor.u32 v3, v4  }
0x55: {  	v4 =	vperm.xlane v3, v0;
	_ =	sdelay $0x1  }
0x56: {  	v4 =	vadd.s32 v1, v4;
	_ =	sdelay $0x3  }
0x57: {  	s31 =	simm.s32 $0x8200  }
0x58: {  	[tilespmem:s31], [sflag:$0x2] =	stream.indirect_vreg.gather [hbm4b:s2+s3], $0x80, v4, vm0, $0xb8;
	[tilespmem:$0x18200] =	vst v63  }
0x59: {  	s30 =	simm.s32 $0x8A00;
	v3 =	vperm.xlane v3, v2  }
0x5a: {  	[tilespmem:s30], [sflag:$0x2] =	stream.indirect_vreg.gather [hbm4b:s5+s3], $0x80, v4, vm0, $0xb8;
	[tilespmem:$0x18200] =	vst v63  }
0x5b: {  	v3 =	vadd.s32 v1, v3;
	s31 =	simm.s32 $0x9200  }
0x5c: {  	[tilespmem:s31], [sflag:$0x2] =	stream.indirect_vreg.gather [hbm4b:s6+s3], $0x80, v4, vm0, $0xb8;
	[tilespmem:$0x18200] =	vst v63  }
0x5d: {  	s30 =	simm.s32 $0x9A00  }
0x5e: {  	[tilespmem:s30], [sflag:$0x2] =	stream.indirect_vreg.gather [hbm4b:s7+s3], $0x80, v4, vm0, $0xb8;
	[tilespmem:$0x18200] =	vst v63  }
0x5f: {  	s31 =	simm.s32 $0xA200  }
0x60: {  	[tilespmem:s31], [sflag:$0x2] =	stream.indirect_vreg.gather [hbm4b:s2+s3], $0x80, v3, vm0, $0xb8;
	[tilespmem:$0x18200] =	vst v63  }
0x61: {  	s30 =	simm.s32 $0xAA00  }
0x62: {  	[tilespmem:s30], [sflag:$0x2] =	stream.indirect_vreg.gather [hbm4b:s5+s3], $0x80, v3, vm0, $0xb8;
	[tilespmem:$0x18200] =	vst v63  }
0x63: {  	s31 =	simm.s32 $0xB200  }
0x64: {  	[tilespmem:s31], [sflag:$0x2] =	stream.indirect_vreg.gather [hbm4b:s6+s3], $0x80, v3, vm0, $0xb8;
	[tilespmem:$0x18200] =	vst v63  }
0x65: {  	s30 =	simm.s32 $0xBA00  }
0x66: {  	[tilespmem:s30], [sflag:$0x2] =	stream.indirect_vreg.gather [hbm4b:s7+s3], $0x80, v3, vm0, $0xb8;
	[tilespmem:$0x18200] =	vst v63  }
0x67: {  	v3 =	vld [tilespmem:$0x30];
	_ =	sdelay $0x4  }
0x68: {  	v61 =	vshll.u32 v3, $0x3  }
0x69: {  	v3 =	vand.u32 $0x7, v3;
	v4 =	vand.u32 $0xFFFFFFC0, v61  }
0x6a: {  	v3 =	vor.u32 v3, v4  }
0x6b: {  	v4 =	vperm.xlane v3, v0;
	_ =	sdelay $0x1  }
0x6c: {  	v4 =	vadd.s32 v1, v4;
	_ =	sdelay $0x3  }
0x6d: {  	s31 =	simm.s32 $0xC200  }
0x6e: {  	[tilespmem:s31], [sflag:$0x2] =	stream.indirect_vreg.gather [hbm4b:s2+s3], $0x80, v4, vm0, $0xb8;
	[tilespmem:$0x18200] =	vst v63  }
0x6f: {  	s30 =	simm.s32 $0xCA00;
	v3 =	vperm.xlane v3, v2  }
0x70: {  	[tilespmem:s30], [sflag:$0x2] =	stream.indirect_vreg.gather [hbm4b:s5+s3], $0x80, v4, vm0, $0xb8;
	[tilespmem:$0x18200] =	vst v63  }
0x71: {  	v3 =	vadd.s32 v1, v3;
	s31 =	simm.s32 $0xD200  }
0x72: {  	[tilespmem:s31], [sflag:$0x2] =	stream.indirect_vreg.gather [hbm4b:s6+s3], $0x80, v4, vm0, $0xb8;
	[tilespmem:$0x18200] =	vst v63  }
0x73: {  	s30 =	simm.s32 $0xDA00  }
0x74: {  	[tilespmem:s30], [sflag:$0x2] =	stream.indirect_vreg.gather [hbm4b:s7+s3], $0x80, v4, vm0, $0xb8;
	[tilespmem:$0x18200] =	vst v63  }
0x75: {  	s31 =	simm.s32 $0xE200  }
0x76: {  	[tilespmem:s31], [sflag:$0x2] =	stream.indirect_vreg.gather [hbm4b:s2+s3], $0x80, v3, vm0, $0xb8;
	[tilespmem:$0x18200] =	vst v63  }
0x77: {  	s30 =	simm.s32 $0xEA00  }
0x78: {  	[tilespmem:s30], [sflag:$0x2] =	stream.indirect_vreg.gather [hbm4b:s5+s3], $0x80, v3, vm0, $0xb8;
	[tilespmem:$0x18200] =	vst v63  }
0x79: {  	s31 =	simm.s32 $0xF200  }
0x7a: {  	[tilespmem:s31], [sflag:$0x2] =	stream.indirect_vreg.gather [hbm4b:s6+s3], $0x80, v3, vm0, $0xb8;
	[tilespmem:$0x18200] =	vst v63  }
0x7b: {  	s30 =	simm.s32 $0xFA00  }
0x7c: {  	[tilespmem:s30], [sflag:$0x2] =	stream.indirect_vreg.gather [hbm4b:s7+s3], $0x80, v3, vm0, $0xb8;
	[tilespmem:$0x18200] =	vst v63  }
0x7d: {  	v3 =	vld [tilespmem:$0x40];
	_ =	sdelay $0x4  }
0x7e: {  	v62 =	vshll.u32 v3, $0x3  }
0x7f: {  	v3 =	vand.u32 $0x7, v3;
	v4 =	vand.u32 $0xFFFFFFC0, v62  }
0x80: {  	v3 =	vor.u32 v3, v4  }
0x81: {  	v4 =	vperm.xlane v3, v0;
	_ =	sdelay $0x1  }
0x82: {  	v4 =	vadd.s32 v1, v4;
	_ =	sdelay $0x4  }
0x83: {  	[tilespmem:s0], [sflag:$0x3] =	stream.indirect_vreg.gather [hbm4b:s2+s3], $0x80, v4, vm0, $0xb8;
	[tilespmem:$0x18200] =	vst v63  }
0x84: {  	s31 =	simm.s32 $0x10A00;
	v3 =	vperm.xlane v3, v2  }
0x85: {  	[tilespmem:s31], [sflag:$0x3] =	stream.indirect_vreg.gather [hbm4b:s5+s3], $0x80, v4, vm0, $0xb8;
	[tilespmem:$0x18200] =	vst v63  }
0x86: {  	s30 =	simm.s32 $0x11200;
	v3 =	vadd.s32 v1, v3  }
0x87: {  	[tilespmem:s30], [sflag:$0x3] =	stream.indirect_vreg.gather [hbm4b:s6+s3], $0x80, v4, vm0, $0xb8;
	[tilespmem:$0x18200] =	vst v63  }
0x88: {  	s31 =	simm.s32 $0x11A00  }
0x89: {  	[tilespmem:s31], [sflag:$0x3] =	stream.indirect_vreg.gather [hbm4b:s7+s3], $0x80, v4, vm0, $0xb8;
	[tilespmem:$0x18200] =	vst v63  }
0x8a: {  	_ = 	snop  }
0x8b: {  	[tilespmem:s4], [sflag:$0x3] =	stream.indirect_vreg.gather [hbm4b:s2+s3], $0x80, v3, vm0, $0xb8;
	[tilespmem:$0x18200] =	vst v63  }
0x8c: {  	_ = 	snop  }
0x8d: {  	[tilespmem:s8], [sflag:$0x3] =	stream.indirect_vreg.gather [hbm4b:s5+s3], $0x80, v3, vm0, $0xb8;
	[tilespmem:$0x18200] =	vst v63  }
0x8e: {  	_ = 	snop  }
0x8f: {  	[tilespmem:s9], [sflag:$0x3] =	stream.indirect_vreg.gather [hbm4b:s6+s3], $0x80, v3, vm0, $0xb8;
	[tilespmem:$0x18200] =	vst v63  }
0x90: {  	_ = 	snop  }
0x91: {  	[tilespmem:s11], [sflag:$0x3] =	stream.indirect_vreg.gather [hbm4b:s7+s3], $0x80, v3, vm0, $0xb8;
	[tilespmem:$0x18200] =	vst v63  }
0x92: {  	v3 =	vld [tilespmem:$0x50];
	_ =	sdelay $0x4  }
0x93: {  	v63 =	vshll.u32 v3, $0x3  }
0x94: {  	v3 =	vand.u32 $0x7, v3;
	v4 =	vand.u32 $0xFFFFFFC0, v63  }
0x95: {  	v3 =	vor.u32 v3, v4  }
0x96: {  	v4 =	vperm.xlane v3, v0;
	_ =	sdelay $0x1  }
0x97: {  	v4 =	vadd.s32 v1, v4;
	_ =	sdelay $0x4  }
0x98: {  	[tilespmem:s13], [sflag:$0x3] =	stream.indirect_vreg.gather [hbm4b:s2+s3], $0x80, v4, vm0, $0xb8;
	[tilespmem:$0x18200] =	vst v63  }
0x99: {  	v3 =	vperm.xlane v3, v2  }
0x9a: {  	[tilespmem:s14], [sflag:$0x3] =	stream.indirect_vreg.gather [hbm4b:s5+s3], $0x80, v4, vm0, $0xb8;
	[tilespmem:$0x18200] =	vst v63  }
0x9b: {  	v3 =	vadd.s32 v1, v3  }
0x9c: {  	[tilespmem:s15], [sflag:$0x3] =	stream.indirect_vreg.gather [hbm4b:s6+s3], $0x80, v4, vm0, $0xb8;
	[tilespmem:$0x18200] =	vst v63  }
0x9d: {  	_ = 	snop  }
0x9e: {  	[tilespmem:s16], [sflag:$0x3] =	stream.indirect_vreg.gather [hbm4b:s7+s3], $0x80, v4, vm0, $0xb8;
	[tilespmem:$0x18200] =	vst v63  }
0x9f: {  	_ = 	snop  }
0xa0: {  	[tilespmem:s17], [sflag:$0x3] =	stream.indirect_vreg.gather [hbm4b:s2+s3], $0x80, v3, vm0, $0xb8;
	[tilespmem:$0x18200] =	vst v63  }
0xa1: {  	_ = 	snop  }
0xa2: {  	[tilespmem:s18], [sflag:$0x3] =	stream.indirect_vreg.gather [hbm4b:s5+s3], $0x80, v3, vm0, $0xb8;
	[tilespmem:$0x18200] =	vst v63  }
0xa3: {  	_ = 	snop  }
0xa4: {  	[tilespmem:s19], [sflag:$0x3] =	stream.indirect_vreg.gather [hbm4b:s6+s3], $0x80, v3, vm0, $0xb8;
	[tilespmem:$0x18200] =	vst v63  }
0xa5: {  	s28 =	simm.s32 $0xB0;
	s29 =	simm.s32 $0x0  }
0xa6: {  	[tilespmem:s20], [sflag:$0x3] =	stream.indirect_vreg.gather [hbm4b:s7+s3], $0x80, v3, vm0, $0xb8;
	[tilespmem:$0x18200] =	vst v63  }
.LBB2_2:
0xa7: {  	_ =	swait.ge [sflag:s21], $0x8000  }
0xa8: {  	[sflag:s21] =	ssyncset.done $0x0  }
0xa9: {  	s30 =	sadd.s32 s29, s10;
	[sflag:s21] =	ssyncadd.s32 $0xFFFF8000  }
0xaa: {  	[hbm4b:s30+s3] =	stream.linear.scatter [tilespmem:s12], [sflag:$0x4], $0x8000, $0x38;
	[tilespmem:$0x18200] =	vst v63  }
0xab: {  	_ =	swait.ge [sflag:s22], $0x8000  }
0xac: {  	[sflag:s22] =	ssyncset.done $0x0  }
0xad: {  	[sflag:s22] =	ssyncadd.s32 $0xFFFF8000  }
0xae: {  	v3 =	vld [tilespmem:s28+$0xFFFFFFB0];
	_ =	sdelay $0x4  }
0xaf: {  	v4 =	vshll.u32 v3, $0x3  }
0xb0: {  	v3 =	vand.u32 $0x7, v3;
	v4 =	vand.u32 $0xFFFFFFC0, v4  }
0xb1: {  	v3 =	vor.u32 v3, v4  }
0xb2: {  	v4 =	vperm.xlane v3, v0;
	_ =	sdelay $0x1  }
0xb3: {  	v4 =	vadd.s32 v1, v4;
	_ =	sdelay $0x4  }
0xb4: {  	[tilespmem:s12], [sflag:$0x1] =	stream.indirect_vreg.gather [hbm4b:s2+s3], $0x80, v4, vm0, $0xb8;
	[tilespmem:$0x18200] =	vst v63  }
0xb5: {  	s1 =	simm.s32 $0xA00;
	v3 =	vperm.xlane v3, v2  }
0xb6: {  	[tilespmem:s1], [sflag:$0x1] =	stream.indirect_vreg.gather [hbm4b:s5+s3], $0x80, v4, vm0, $0xb8;
	[tilespmem:$0x18200] =	vst v63  }
0xb7: {  	s31 =	simm.s32 $0x1200;
	v3 =	vadd.s32 v1, v3  }
0xb8: {  	[tilespmem:s31], [sflag:$0x1] =	stream.indirect_vreg.gather [hbm4b:s6+s3], $0x80, v4, vm0, $0xb8;
	[tilespmem:$0x18200] =	vst v63  }
0xb9: {  	s31 =	simm.s32 $0x1A00  }
0xba: {  	[tilespmem:s31], [sflag:$0x1] =	stream.indirect_vreg.gather [hbm4b:s7+s3], $0x80, v4, vm0, $0xb8;
	[tilespmem:$0x18200] =	vst v63  }
0xbb: {  	s31 =	simm.s32 $0x2200  }
0xbc: {  	[tilespmem:s31], [sflag:$0x1] =	stream.indirect_vreg.gather [hbm4b:s2+s3], $0x80, v3, vm0, $0xb8;
	[tilespmem:$0x18200] =	vst v63  }
0xbd: {  	s31 =	simm.s32 $0x2A00  }
0xbe: {  	[tilespmem:s31], [sflag:$0x1] =	stream.indirect_vreg.gather [hbm4b:s5+s3], $0x80, v3, vm0, $0xb8;
	[tilespmem:$0x18200] =	vst v63  }
0xbf: {  	s31 =	simm.s32 $0x3200  }
0xc0: {  	[tilespmem:s31], [sflag:$0x1] =	stream.indirect_vreg.gather [hbm4b:s6+s3], $0x80, v3, vm0, $0xb8;
	[tilespmem:$0x18200] =	vst v63  }
0xc1: {  	s31 =	simm.s32 $0x3A00  }
0xc2: {  	[tilespmem:s31], [sflag:$0x1] =	stream.indirect_vreg.gather [hbm4b:s7+s3], $0x80, v3, vm0, $0xb8;
	[tilespmem:$0x18200] =	vst v63  }
0xc3: {  	v3 =	vld [tilespmem:s28+$0xFFFFFFC0];
	_ =	sdelay $0x4  }
0xc4: {  	v63 =	vshll.u32 v3, $0x3  }
0xc5: {  	v3 =	vand.u32 $0x7, v3;
	v4 =	vand.u32 $0xFFFFFFC0, v63  }
0xc6: {  	v3 =	vor.u32 v3, v4  }
0xc7: {  	v4 =	vperm.xlane v3, v0;
	_ =	sdelay $0x1  }
0xc8: {  	v4 =	vadd.s32 v1, v4;
	_ =	sdelay $0x3  }
0xc9: {  	s31 =	simm.s32 $0x4200  }
0xca: {  	[tilespmem:s31], [sflag:$0x1] =	stream.indirect_vreg.gather [hbm4b:s2+s3], $0x80, v4, vm0, $0xb8;
	[tilespmem:$0x18200] =	vst v63  }
0xcb: {  	v3 =	vperm.xlane v3, v2;
	s31 =	simm.s32 $0x4A00  }
0xcc: {  	[tilespmem:s31], [sflag:$0x1] =	stream.indirect_vreg.gather [hbm4b:s5+s3], $0x80, v4, vm0, $0xb8;
	[tilespmem:$0x18200] =	vst v63  }
0xcd: {  	v3 =	vadd.s32 v1, v3;
	s31 =	simm.s32 $0x5200  }
0xce: {  	[tilespmem:s31], [sflag:$0x1] =	stream.indirect_vreg.gather [hbm4b:s6+s3], $0x80, v4, vm0, $0xb8;
	[tilespmem:$0x18200] =	vst v63  }
0xcf: {  	s31 =	simm.s32 $0x5A00  }
0xd0: {  	[tilespmem:s31], [sflag:$0x1] =	stream.indirect_vreg.gather [hbm4b:s7+s3], $0x80, v4, vm0, $0xb8;
	[tilespmem:$0x18200] =	vst v63  }
0xd1: {  	s31 =	simm.s32 $0x6200  }
0xd2: {  	[tilespmem:s31], [sflag:$0x1] =	stream.indirect_vreg.gather [hbm4b:s2+s3], $0x80, v3, vm0, $0xb8;
	[tilespmem:$0x18200] =	vst v63  }
0xd3: {  	s31 =	simm.s32 $0x6A00  }
0xd4: {  	[tilespmem:s31], [sflag:$0x1] =	stream.indirect_vreg.gather [hbm4b:s5+s3], $0x80, v3, vm0, $0xb8;
	[tilespmem:$0x18200] =	vst v63  }
0xd5: {  	s31 =	simm.s32 $0x7200  }
0xd6: {  	[tilespmem:s31], [sflag:$0x1] =	stream.indirect_vreg.gather [hbm4b:s6+s3], $0x80, v3, vm0, $0xb8;
	[tilespmem:$0x18200] =	vst v63  }
0xd7: {  	s31 =	simm.s32 $0x7A00  }
0xd8: {  	[tilespmem:s31], [sflag:$0x1] =	stream.indirect_vreg.gather [hbm4b:s7+s3], $0x80, v3, vm0, $0xb8;
	[tilespmem:$0x18200] =	vst v63  }
0xd9: {  	_ =	swait.ge [sflag:s23], $0x8000  }
0xda: {  	[sflag:s23] =	ssyncset.done $0x0  }
0xdb: {  	s1 =	simm.s32 $0x8200;
	s31 =	sadd.s32 $0x1000, s30;
	[sflag:s23] =	ssyncadd.s32 $0xFFFF8000  }
0xdc: {  	[hbm4b:s31+s3] =	stream.linear.scatter [tilespmem:s1], [sflag:$0x5], $0x8000, $0x38;
	[tilespmem:$0x18200] =	vst v63  }
0xdd: {  	_ =	swait.ge [sflag:s24], $0x8000  }
0xde: {  	[sflag:s24] =	ssyncset.done $0x0  }
0xdf: {  	p0 =	seq.s32 s29, $0xC000;
	[sflag:s24] =	ssyncadd.s32 $0xFFFF8000  }
0xe0: {  	v3 =	vld @!p0 [tilespmem:s28+$0xFFFFFFD0];
	_ =	sdelay $0x4  }
0xe1: {  	v4 =	vshll.u32 @!p0 v3, $0x3  }
0xe2: {  	v5 =	vlaneseq.u32 @!p0;
	v3 =	vand.u32 @!p0 $0x7, v3;
	v4 =	vand.u32 @!p0 $0xFFFFFFC0, v4  }
0xe3: {  	v6 =	vshrl.u32 @!p0 v5, $0x3;
	v3 =	vor.u32 @!p0 v3, v4;
	v4 =	vand.u32 @!p0 $0x7, v5  }
0xe4: {  	v6 =	vmul.u32 @!p0 $0x8, v6;
	v7 =	vperm.xlane @!p0 v3, v4;
	_ =	sdelay $0x1  }
0xe5: {  	v7 =	vadd.s32 @!p0 v6, v7;
	_ =	sdelay $0x3  }
0xe6: {  	vm1 =	vmmov @!p0 $0xffff;
	s31 =	simm.s32 @!p0 $0x0;
	s1 =	simm.s32 @!p0 $0x8200  }
0xe7: {  	v5 =	vor.u32 @!p0 $0x8, v5;
	[tilespmem:s1], [sflag:$0x2] =	stream.indirect_vreg.gather @!p0 [hbm4b:s2+s31], $0x80, v7, vm1, $0xb8;
	[tilespmem:$0x18200] =	vst v63  }
0xe8: {  	v3 =	vperm.xlane @!p0 v3, v5;
	s1 =	simm.s32 @!p0 $0x8A00  }
0xe9: {  	[tilespmem:s1], [sflag:$0x2] =	stream.indirect_vreg.gather @!p0 [hbm4b:s5+s31], $0x80, v7, vm1, $0xb8;
	[tilespmem:$0x18200] =	vst v63  }
0xea: {  	v3 =	vadd.s32 @!p0 v6, v3;
	s1 =	simm.s32 @!p0 $0x9200  }
0xeb: {  	[tilespmem:s1], [sflag:$0x2] =	stream.indirect_vreg.gather @!p0 [hbm4b:s6+s31], $0x80, v7, vm1, $0xb8;
	[tilespmem:$0x18200] =	vst v63  }
0xec: {  	s1 =	simm.s32 @!p0 $0x9A00  }
0xed: {  	[tilespmem:s1], [sflag:$0x2] =	stream.indirect_vreg.gather @!p0 [hbm4b:s7+s31], $0x80, v7, vm1, $0xb8;
	[tilespmem:$0x18200] =	vst v63  }
0xee: {  	s1 =	simm.s32 @!p0 $0xA200  }
0xef: {  	[tilespmem:s1], [sflag:$0x2] =	stream.indirect_vreg.gather @!p0 [hbm4b:s2+s31], $0x80, v3, vm1, $0xb8;
	[tilespmem:$0x18200] =	vst v63  }
0xf0: {  	s1 =	simm.s32 @!p0 $0xAA00  }
0xf1: {  	[tilespmem:s1], [sflag:$0x2] =	stream.indirect_vreg.gather @!p0 [hbm4b:s5+s31], $0x80, v3, vm1, $0xb8;
	[tilespmem:$0x18200] =	vst v63  }
0xf2: {  	s1 =	simm.s32 @!p0 $0xB200  }
0xf3: {  	[tilespmem:s1], [sflag:$0x2] =	stream.indirect_vreg.gather @!p0 [hbm4b:s6+s31], $0x80, v3, vm1, $0xb8;
	[tilespmem:$0x18200] =	vst v63  }
0xf4: {  	s1 =	simm.s32 @!p0 $0xBA00  }
0xf5: {  	[tilespmem:s1], [sflag:$0x2] =	stream.indirect_vreg.gather @!p0 [hbm4b:s7+s31], $0x80, v3, vm1, $0xb8;
	[tilespmem:$0x18200] =	vst v63  }
0xf6: {  	v3 =	vld @!p0 [tilespmem:s28+$0xFFFFFFE0];
	_ =	sdelay $0x4  }
0xf7: {  	v7 =	vshll.u32 @!p0 v3, $0x3  }
0xf8: {  	v3 =	vand.u32 @!p0 $0x7, v3;
	v7 =	vand.u32 @!p0 $0xFFFFFFC0, v7  }
0xf9: {  	v3 =	vor.u32 @!p0 v3, v7  }
0xfa: {  	v4 =	vperm.xlane @!p0 v3, v4;
	_ =	sdelay $0x1  }
0xfb: {  	v4 =	vadd.s32 @!p0 v6, v4;
	_ =	sdelay $0x3  }
0xfc: {  	s1 =	simm.s32 @!p0 $0xC200  }
0xfd: {  	[tilespmem:s1], [sflag:$0x2] =	stream.indirect_vreg.gather @!p0 [hbm4b:s2+s31], $0x80, v4, vm1, $0xb8;
	[tilespmem:$0x18200] =	vst v63  }
0xfe: {  	v3 =	vperm.xlane @!p0 v3, v5;
	s1 =	simm.s32 @!p0 $0xCA00  }
0xff: {  	[tilespmem:s1], [sflag:$0x2] =	stream.indirect_vreg.gather @!p0 [hbm4b:s5+s31], $0x80, v4, vm1, $0xb8;
	[tilespmem:$0x18200] =	vst v63  }
0x100: {  	v3 =	vadd.s32 @!p0 v6, v3;
	s1 =	simm.s32 @!p0 $0xD200  }
0x101: {  	[tilespmem:s1], [sflag:$0x2] =	stream.indirect_vreg.gather @!p0 [hbm4b:s6+s31], $0x80, v4, vm1, $0xb8;
	[tilespmem:$0x18200] =	vst v63  }
0x102: {  	s1 =	simm.s32 @!p0 $0xDA00  }
0x103: {  	[tilespmem:s1], [sflag:$0x2] =	stream.indirect_vreg.gather @!p0 [hbm4b:s7+s31], $0x80, v4, vm1, $0xb8;
	[tilespmem:$0x18200] =	vst v63  }
0x104: {  	s1 =	simm.s32 @!p0 $0xE200  }
0x105: {  	[tilespmem:s1], [sflag:$0x2] =	stream.indirect_vreg.gather @!p0 [hbm4b:s2+s31], $0x80, v3, vm1, $0xb8;
	[tilespmem:$0x18200] =	vst v63  }
0x106: {  	s1 =	simm.s32 @!p0 $0xEA00  }
0x107: {  	[tilespmem:s1], [sflag:$0x2] =	stream.indirect_vreg.gather @!p0 [hbm4b:s5+s31], $0x80, v3, vm1, $0xb8;
	[tilespmem:$0x18200] =	vst v63  }
0x108: {  	s1 =	simm.s32 @!p0 $0xF200  }
0x109: {  	[tilespmem:s1], [sflag:$0x2] =	stream.indirect_vreg.gather @!p0 [hbm4b:s6+s31], $0x80, v3, vm1, $0xb8;
	[tilespmem:$0x18200] =	vst v63  }
0x10a: {  	s1 =	simm.s32 @!p0 $0xFA00  }
0x10b: {  	[tilespmem:s1], [sflag:$0x2] =	stream.indirect_vreg.gather @!p0 [hbm4b:s7+s31], $0x80, v3, vm1, $0xb8;
	[tilespmem:$0x18200] =	vst v63  }
0x10c: {  	_ =	swait.ge [sflag:s25], $0x8000  }
0x10d: {  	[sflag:s25] =	ssyncset.done $0x0  }
.Ltmp2:
0x10e: {  	s31 =	sadd.s32 $0x2000, s30;
	[sflag:s25] =	ssyncadd.s32 $0xFFFF8000;
	(pc) =	sbr.rel @p0 .LBB2_4-.Ltmp2, $4  }
0x10f: {  	[hbm4b:s31+s3] =	stream.linear.scatter [tilespmem:s0], [sflag:$0x6], $0x8000, $0x38;
	[tilespmem:$0x18200] =	vst v63  }
0x110: {  	_ =	swait.ge [sflag:s26], $0x8000  }
0x111: {  	[sflag:s26] =	ssyncset.done $0x0  }
0x112: {  	[sflag:s26] =	ssyncadd.s32 $0xFFFF8000  }
0x113: {  	v3 =	vld [tilespmem:s28+$0xFFFFFFF0];
	_ =	sdelay $0x4  }
0x114: {  	v4 =	vshll.u32 v3, $0x3  }
0x115: {  	v3 =	vand.u32 $0x7, v3;
	v4 =	vand.u32 $0xFFFFFFC0, v4  }
0x116: {  	v3 =	vor.u32 v3, v4  }
0x117: {  	v4 =	vperm.xlane v3, v0;
	_ =	sdelay $0x1  }
0x118: {  	v4 =	vadd.s32 v1, v4;
	_ =	sdelay $0x4  }
0x119: {  	[tilespmem:s0], [sflag:$0x3] =	stream.indirect_vreg.gather [hbm4b:s2+s3], $0x80, v4, vm0, $0xb8;
	[tilespmem:$0x18200] =	vst v63  }
0x11a: {  	s1 =	simm.s32 $0x10A00;
	v3 =	vperm.xlane v3, v2  }
0x11b: {  	[tilespmem:s1], [sflag:$0x3] =	stream.indirect_vreg.gather [hbm4b:s5+s3], $0x80, v4, vm0, $0xb8;
	[tilespmem:$0x18200] =	vst v63  }
0x11c: {  	s30 =	simm.s32 $0x11200;
	v3 =	vadd.s32 v1, v3  }
0x11d: {  	[tilespmem:s30], [sflag:$0x3] =	stream.indirect_vreg.gather [hbm4b:s6+s3], $0x80, v4, vm0, $0xb8;
	[tilespmem:$0x18200] =	vst v63  }
0x11e: {  	s31 =	simm.s32 $0x11A00  }
0x11f: {  	[tilespmem:s31], [sflag:$0x3] =	stream.indirect_vreg.gather [hbm4b:s7+s3], $0x80, v4, vm0, $0xb8;
	[tilespmem:$0x18200] =	vst v63  }
0x120: {  	_ = 	snop  }
0x121: {  	[tilespmem:s4], [sflag:$0x3] =	stream.indirect_vreg.gather [hbm4b:s2+s3], $0x80, v3, vm0, $0xb8;
	[tilespmem:$0x18200] =	vst v63  }
0x122: {  	_ = 	snop  }
0x123: {  	[tilespmem:s8], [sflag:$0x3] =	stream.indirect_vreg.gather [hbm4b:s5+s3], $0x80, v3, vm0, $0xb8;
	[tilespmem:$0x18200] =	vst v63  }
0x124: {  	_ = 	snop  }
0x125: {  	[tilespmem:s9], [sflag:$0x3] =	stream.indirect_vreg.gather [hbm4b:s6+s3], $0x80, v3, vm0, $0xb8;
	[tilespmem:$0x18200] =	vst v63  }
0x126: {  	_ = 	snop  }
0x127: {  	[tilespmem:s11], [sflag:$0x3] =	stream.indirect_vreg.gather [hbm4b:s7+s3], $0x80, v3, vm0, $0xb8;
	[tilespmem:$0x18200] =	vst v63  }
0x128: {  	v3 =	vld [tilespmem:s28+$0x0];
	_ =	sdelay $0x4  }
0x129: {  	v63 =	vshll.u32 v3, $0x3  }
0x12a: {  	v3 =	vand.u32 $0x7, v3;
	v4 =	vand.u32 $0xFFFFFFC0, v63  }
0x12b: {  	v3 =	vor.u32 v3, v4  }
0x12c: {  	v4 =	vperm.xlane v3, v0;
	_ =	sdelay $0x1  }
0x12d: {  	v4 =	vadd.s32 v1, v4;
	_ =	sdelay $0x4  }
0x12e: {  	[tilespmem:s13], [sflag:$0x3] =	stream.indirect_vreg.gather [hbm4b:s2+s3], $0x80, v4, vm0, $0xb8;
	[tilespmem:$0x18200] =	vst v63  }
0x12f: {  	v3 =	vperm.xlane v3, v2  }
0x130: {  	[tilespmem:s14], [sflag:$0x3] =	stream.indirect_vreg.gather [hbm4b:s5+s3], $0x80, v4, vm0, $0xb8;
	[tilespmem:$0x18200] =	vst v63  }
0x131: {  	v3 =	vadd.s32 v1, v3  }
0x132: {  	[tilespmem:s15], [sflag:$0x3] =	stream.indirect_vreg.gather [hbm4b:s6+s3], $0x80, v4, vm0, $0xb8;
	[tilespmem:$0x18200] =	vst v63  }
0x133: {  	_ = 	snop  }
0x134: {  	[tilespmem:s16], [sflag:$0x3] =	stream.indirect_vreg.gather [hbm4b:s7+s3], $0x80, v4, vm0, $0xb8;
	[tilespmem:$0x18200] =	vst v63  }
0x135: {  	_ = 	snop  }
0x136: {  	[tilespmem:s17], [sflag:$0x3] =	stream.indirect_vreg.gather [hbm4b:s2+s3], $0x80, v3, vm0, $0xb8;
	[tilespmem:$0x18200] =	vst v63  }
0x137: {  	_ = 	snop  }
0x138: {  	[tilespmem:s18], [sflag:$0x3] =	stream.indirect_vreg.gather [hbm4b:s5+s3], $0x80, v3, vm0, $0xb8;
	[tilespmem:$0x18200] =	vst v63  }
.Ltmp3:
0x139: {  	_ = 	snop;
	(pc) =	sbr.rel .LBB2_2-.Ltmp3, $4  }
0x13a: {  	_ = 	snop  }
0x13b: {  	[tilespmem:s19], [sflag:$0x3] =	stream.indirect_vreg.gather [hbm4b:s6+s3], $0x80, v3, vm0, $0xb8;
	[tilespmem:$0x18200] =	vst v63  }
0x13c: {  	s29 =	sadd.s32 $0x3000, s29;
	s28 =	sadd.s32 $0x60, s28  }
0x13d: {  	[tilespmem:s20], [sflag:$0x3] =	stream.indirect_vreg.gather [hbm4b:s7+s3], $0x80, v3, vm0, $0xb8;
	[tilespmem:$0x18200] =	vst v63  }
.LBB2_5:
0x13e: {  	_ =	sfence.sel $0x180000  }
0x13f: {  	[bflag:$0x0] =	sbarrier.arrive $0xFFFF  }
0x140: {  	_ =	strace $0x90000047  }
0x141: {  	s0 =	stileid.u32;
	[bflag:$0x2] =	sbarrier.arrive $0xFFFF  }
0x142: {  	p0 =	sne.s32 s0, $0x0;
	s0 =	rddreg [dreg:$0x3]  }
0x143: {  	s0 =	sadd.s32 @!p0 $0x100000, s0  }
0x144: {  	[sflag:s0] =	ssyncadd.tile.s32 @!p0 $0x1;
	_ =	shalt  }
.Lfunc_end2:
_tile_overlayer_lowered:
.L_overlay_start_2:
0x145: {  	(tag) =	ssettag $0x2  }
0x146: {  	s0 =	rddreg [dreg:$0x0];
	s2 =	stileid.u32  }
0x147: {  	s1 =	rddreg [dreg:$0x1];
	p0 =	sne.s32 s2, $0x0  }
0x148: {  	s3 =	rddreg [dreg:$0x2];
	[bflag:$0x3] =	sbarrier.arrive $0xFFFF;
	s2 =	simm.s32 @!p0 $0x1C07  }
0x149: {  	[timem:s3], [sflag:s2] =	dma.local @!p0 [hbm:s0], s1  }
0x14a: {  	s0 =	simm.s32 @!p0 $0x7  }
0x14b: {  	_ =	swait.ge @!p0 [sflag:s0], s1  }
0x14c: {  	s1 =	ssub.s32 @!p0 $0x0, s1;
	[sflag:s0] =	ssyncset.done @!p0 $0x0  }
0x14d: {  	[sflag:s0] =	ssyncadd.s32 @!p0 s1  }
0x14e: {  	[bflag:$0x3] =	sbarrier.arrive $0xFFFF  }
0x14f: {  	_ =	shalt  }

</sc_bundles>
